<compile_context>
chip_gen: v7x
topology: tpu7x:2x2x1
jax: 0.10.2.dev20260603
libtpu: 0.0.44.dev20260713+nightly
codegen_flags: <defaults>
</compile_context>

<pallas_src>
import functools

import jax
import jax.numpy as jnp
from jax import lax
from jax.experimental import pallas as pl
from jax.experimental.pallas import tpu as pltpu
from jax.experimental.pallas import tpu_sc as plsc

_B, _T = 2, 64
_H, _W = 224, 224
_BINS = 512
_L = 16
_NC, _NS = 2, 16
_NW = _NC * _NS
_FPW = (_B * _T) // _NW
_NCHUNK = 8
_CR = _H // _NCHUNK


def _make_sc_hist_body(fpw):
    hrows = fpw * _BINS

    def _sc_hist_body(frames_ref, out_ref, chunk_ref, hist_ref, red_ref,
                      dsem):
        wid = lax.axis_index("c") * _NS + lax.axis_index("s")
        lanes = jnp.arange(_L, dtype=jnp.int32)
        ones = jnp.ones((_L,), jnp.float32)
        zf = jnp.zeros((_L,), jnp.float32)

        def zero_body(i, carry):
            for j in range(8):
                hist_ref[pl.ds((i * 8 + j) * _L, _L)] = zf
            return carry

        lax.fori_loop(0, hrows // 8, zero_body, 0)

        ncc = fpw * _NCHUNK

        def _copy(cc, slot):
            f = cc >> 3
            ci = cc & 7
            return pltpu.make_async_copy(
                frames_ref.at[wid * fpw + f, :, pl.ds(ci * _CR, _CR), :],
                chunk_ref.at[slot], dsem.at[slot])

        _copy(0, 0).start()

        def chunk_body(cc, carry):
            slot = cc & 1

            @pl.when(cc < ncc - 1)
            def _():
                _copy(cc + 1, 1 - slot).start()

            _copy(cc, slot).wait()
            rowlane = lanes + ((cc >> 3) << 13)

            @plsc.parallel_loop(0, _CR)
            def row_body(rr):
                for j in range(_W // _L):
                    s = pl.ds(j * _L, _L)
                    r = chunk_ref[slot, 0, rr, s]
                    g = chunk_ref[slot, 1, rr, s]
                    b = chunk_ref[slot, 2, rr, s]
                    idx = (((r & 0xE0) << 5) + ((g & 0xE0) << 2)
                           + ((b & 0xE0) >> 1) + rowlane)
                    plsc.addupdate_scatter(hist_ref, [idx], ones)

            return carry

        lax.fori_loop(0, ncc, chunk_body, 0)

        def red_body(g, carry):
            acc = zf
            for j in range(_L):
                srow = jnp.sum(hist_ref[pl.ds((g * _L + j) * _L, _L)])
                acc = jnp.where(lanes == j, srow, acc)
            red_ref[pl.ds(g * _L, _L)] = acc
            return carry

        lax.fori_loop(0, hrows // _L, red_body, 0)
        pltpu.sync_copy(red_ref, out_ref.at[wid])

    return _sc_hist_body


def _sc_hist(flat):
    n = flat.shape[0]
    fpw = n // _NW
    hrows = fpw * _BINS
    mesh = plsc.VectorSubcoreMesh(core_axis_name="c", subcore_axis_name="s")
    kern = pl.kernel(
        _make_sc_hist_body(fpw),
        out_type=jax.ShapeDtypeStruct((_NW, hrows), jnp.float32),
        mesh=mesh,
        scratch_types=[
            pltpu.VMEM((2, 3, _CR, _W), jnp.int32),
            pltpu.VMEM((hrows * _L,), jnp.float32),
            pltpu.VMEM((hrows,), jnp.float32),
            pltpu.SemaphoreType.DMA((2,)),
        ],
        compiler_params=pltpu.CompilerParams(needs_layout_passes=False,
                                             use_tc_tiling_on_sc=False),
    )
    return kern(flat)


def _tc_sims_body(hist_ref, ex_ref):
    h = hist_ref[0]
    nrm = jnp.sqrt(jnp.sum(h * h, axis=1, keepdims=True))
    x = h / jnp.maximum(nrm, 1e-12)
    s = lax.dot_general(x, x, (((1,), (1,)), ((), ())),
                        preferred_element_type=jnp.float32)
    zpad = jnp.zeros((_T, 50), jnp.float32)
    sp = jnp.concatenate([zpad, s, zpad], axis=1)
    ex = jnp.concatenate(
        [sp, jnp.broadcast_to(sp[_T - 1:_T, :], (100, _T + 100))], axis=0)
    ex_ref[0] = ex


def _tc_expand_body(ex_ref, out_ref):
    kb = pl.program_id(1)
    base = pl.multiple_of(kb * 8, 8)
    blk = ex_ref[0, pl.ds(base, 108), :]
    for j in range(8):
        sub = jax.lax.slice(blk, (j, 0), (j + 101, blk.shape[1]))
        out_ref[0, 0, j] = sub
        out_ref[0, 1, j] = sub


def kernel(inputs):
    frames = inputs
    b, t, h, w, _ = frames.shape
    planar = jnp.transpose(frames, (0, 1, 4, 2, 3)).reshape(b * t, 3, h, w)
    hist = _sc_hist(planar).reshape(b, t, _BINS)

    ex = pl.pallas_call(
        _tc_sims_body,
        grid=(b,),
        in_specs=[pl.BlockSpec((1, t, _BINS), lambda i: (i, 0, 0))],
        out_specs=pl.BlockSpec((1, t + 100, t + 100), lambda i: (i, 0, 0)),
        out_shape=jax.ShapeDtypeStruct((b, t + 100, t + 100), jnp.float32),
    )(hist)

    out = pl.pallas_call(
        _tc_expand_body,
        grid=(b, t // 8),
        in_specs=[pl.BlockSpec((1, t + 100, t + 100), lambda i, k: (i, 0, 0))],
        out_specs=pl.BlockSpec((1, b, 8, 101, t + 100),
                               lambda i, k: (i, 0, k, 0, 0)),
        out_shape=jax.ShapeDtypeStruct((b, b, t, 101, t + 100), jnp.float32),
    )(ex)
    return out

# --- scband reference (transcript-rebuilt; emitter-appended) ---
"""Pipeline reference for scband-color-histograms-37400575214078 (READ-ONLY COPY).

The authoritative reference and input builder live on the scoring server;
editing this copy changes nothing except your own understanding.
"""

import jax, jax.numpy as jnp
import numpy as np

LOOKUP_WINDOW = 101

def setup_inputs(seed: int = 0) -> dict:
    key = jax.random.key(seed)
    frames = jax.random.randint(key, (2, 64, 224, 224, 3), 0, 256, dtype=jnp.int32)
    return {"inputs": frames}

def reference(inputs):
    frames = inputs
    b, t, h, w, _ = frames.shape
    flat = frames.reshape(b * t, h * w, 3)
    R = flat[..., 0] >> 5
    G = flat[..., 1] >> 5
    B = flat[..., 2] >> 5
    bins = (R << 6) + (G << 3) + B
    bins = bins + (jnp.arange(b * t, dtype=bins.dtype) << 9)[:, None]
    hist = jnp.zeros((b * t * 512,), dtype=jnp.float32)
    hist = hist.at[bins.reshape(-1)].add(jnp.ones((bins.size,), dtype=jnp.float32))
    hist = hist.reshape(b, t, 512)
    # F.normalize(p=2, dim=2): x / max(||x||_2, eps)
    norm = jnp.linalg.norm(hist, ord=2, axis=2, keepdims=True)
    x = hist / jnp.maximum(norm, 1e-12)
    sims = jnp.matmul(x, jnp.swapaxes(x, 1, 2))
    p = (LOOKUP_WINDOW - 1) // 2
    sims_pad = jnp.pad(sims, ((0, 0), (0, 0), (p, p)))
    idx = jnp.broadcast_to(jnp.arange(LOOKUP_WINDOW)[None, None, :], (b, t, LOOKUP_WINDOW))
    center = jnp.broadcast_to(jnp.arange(t)[None, :, None], (b, t, LOOKUP_WINDOW))
    # Literal translation of sims_pad[:, center + idx] (advanced indexing on dim 1).
    # Result shape: (b, b, t, LOOKUP_WINDOW, t + LOOKUP_WINDOW - 1). JAX clamps OOB indices.
    out = sims_pad[:, center + idx]
    return out

if __name__ == "__main__":
    import jax
    _d = setup_inputs()
    print(jax.jit(kernel)(*tuple(_d.values())))

</pallas_src>

<mosaic_0001>
#map = affine_map<(d0, d1) -> (0, 0, 0, 0)>
#map1 = affine_map<(d0, d1) -> (0, 0)>
module attributes {stable_mosaic.version = 14 : i64} {
  func.func @_sc_hist_body(%arg0: i32, %arg1: i32, %arg2: memref<128x3x224x224xi32, #tpu.memory_space<hbm>>, %arg3: memref<32x2048xf32, #tpu.memory_space<hbm>>, %arg4: memref<2x3x28x224xi32, #tpu.memory_space<vmem>>, %arg5: memref<32768xf32, #tpu.memory_space<vmem>>, %arg6: memref<2048xf32, #tpu.memory_space<vmem>>, %arg7: memref<2x!tpu.dma_semaphore, #tpu.memory_space<semaphore_mem>>) attributes {dimension_semantics = [#tpu.dimension_semantics<core_parallel>, #tpu.dimension_semantics<subcore_parallel>], iteration_bounds = array<i64: 2, 16>, scalar_prefetch = 0 : i64, scratch_operands = 4 : i64, tpu.core_type = #tpu.core_type<sc_vector_subcore>, window_params = [{transform_indices = #map}, {transform_indices = #map1}]} {
    %mul3A = arith.constant 16 : i32
    %mul3A_0 = arith.muli %arg0, %mul3A : i32
    %add3A = arith.addi %mul3A_0, %arg1 : i32
    %iota3A = tpu.iota {dimensions = array<i32: 0>} : vector<16xi32>
    %broadcast_in_dim3A = arith.constant 1.000000e+00 : f32
    %broadcast_in_dim3A_1 = vector.broadcast %broadcast_in_dim3A : f32 to vector<16xf32>
    %broadcast_in_dim3A_2 = arith.constant 0.000000e+00 : f32
    %broadcast_in_dim3A_3 = vector.broadcast %broadcast_in_dim3A_2 : f32 to vector<16xf32>
    %scan3A = arith.constant 0 : i32
    %scan3A_4 = arith.constant 0 : i32
    %scan3A_5 = arith.constant 256 : i32
    %scan3A_6 = arith.addi %scan3A_4, %scan3A_5 : i32
    %scan3A_7 = arith.constant 1 : i32
    scf.for %scan3A_48 = %scan3A_4 to %scan3A_6 step %scan3A_7  : i32 {
      %mul3A_49 = arith.constant 8 : i32
      %mul3A_50 = arith.muli %scan3A_48, %mul3A_49 : i32
      %add3A_51 = arith.constant 0 : i32
      %add3A_52 = arith.addi %mul3A_50, %add3A_51 : i32
      %mul3A_53 = arith.constant 16 : i32
      %mul3A_54 = arith.muli %add3A_52, %mul3A_53 : i32
      %swap3A = arith.index_cast %mul3A_54 : i32 to index
      %swap3A_55 = tpu.vector_load %arg5[%swap3A] {strides = array<i32>} : memref<32768xf32, #tpu.memory_space<vmem>>, vector<16xf32>,
      tpu.vector_store %arg5[%swap3A], %broadcast_in_dim3A_3 {strides = array<i32>} : memref<32768xf32, #tpu.memory_space<vmem>>, vector<16xf32>,
      %mul3A_56 = arith.constant 8 : i32
      %mul3A_57 = arith.muli %scan3A_48, %mul3A_56 : i32
      %add3A_58 = arith.constant 1 : i32
      %add3A_59 = arith.addi %mul3A_57, %add3A_58 : i32
      %mul3A_60 = arith.constant 16 : i32
      %mul3A_61 = arith.muli %add3A_59, %mul3A_60 : i32
      %swap3A_62 = arith.index_cast %mul3A_61 : i32 to index
      %swap3A_63 = tpu.vector_load %arg5[%swap3A_62] {strides = array<i32>} : memref<32768xf32, #tpu.memory_space<vmem>>, vector<16xf32>,
      tpu.vector_store %arg5[%swap3A_62], %broadcast_in_dim3A_3 {strides = array<i32>} : memref<32768xf32, #tpu.memory_space<vmem>>, vector<16xf32>,
      %mul3A_64 = arith.constant 8 : i32
      %mul3A_65 = arith.muli %scan3A_48, %mul3A_64 : i32
      %add3A_66 = arith.constant 2 : i32
      %add3A_67 = arith.addi %mul3A_65, %add3A_66 : i32
      %mul3A_68 = arith.constant 16 : i32
      %mul3A_69 = arith.muli %add3A_67, %mul3A_68 : i32
      %swap3A_70 = arith.index_cast %mul3A_69 : i32 to index
      %swap3A_71 = tpu.vector_load %arg5[%swap3A_70] {strides = array<i32>} : memref<32768xf32, #tpu.memory_space<vmem>>, vector<16xf32>,
      tpu.vector_store %arg5[%swap3A_70], %broadcast_in_dim3A_3 {strides = array<i32>} : memref<32768xf32, #tpu.memory_space<vmem>>, vector<16xf32>,
      %mul3A_72 = arith.constant 8 : i32
      %mul3A_73 = arith.muli %scan3A_48, %mul3A_72 : i32
      %add3A_74 = arith.constant 3 : i32
      %add3A_75 = arith.addi %mul3A_73, %add3A_74 : i32
      %mul3A_76 = arith.constant 16 : i32
      %mul3A_77 = arith.muli %add3A_75, %mul3A_76 : i32
      %swap3A_78 = arith.index_cast %mul3A_77 : i32 to index
      %swap3A_79 = tpu.vector_load %arg5[%swap3A_78] {strides = array<i32>} : memref<32768xf32, #tpu.memory_space<vmem>>, vector<16xf32>,
      tpu.vector_store %arg5[%swap3A_78], %broadcast_in_dim3A_3 {strides = array<i32>} : memref<32768xf32, #tpu.memory_space<vmem>>, vector<16xf32>,
      %mul3A_80 = arith.constant 8 : i32
      %mul3A_81 = arith.muli %scan3A_48, %mul3A_80 : i32
      %add3A_82 = arith.constant 4 : i32
      %add3A_83 = arith.addi %mul3A_81, %add3A_82 : i32
      %mul3A_84 = arith.constant 16 : i32
      %mul3A_85 = arith.muli %add3A_83, %mul3A_84 : i32
      %swap3A_86 = arith.index_cast %mul3A_85 : i32 to index
      %swap3A_87 = tpu.vector_load %arg5[%swap3A_86] {strides = array<i32>} : memref<32768xf32, #tpu.memory_space<vmem>>, vector<16xf32>,
      tpu.vector_store %arg5[%swap3A_86], %broadcast_in_dim3A_3 {strides = array<i32>} : memref<32768xf32, #tpu.memory_space<vmem>>, vector<16xf32>,
      %mul3A_88 = arith.constant 8 : i32
      %mul3A_89 = arith.muli %scan3A_48, %mul3A_88 : i32
      %add3A_90 = arith.constant 5 : i32
      %add3A_91 = arith.addi %mul3A_89, %add3A_90 : i32
      %mul3A_92 = arith.constant 16 : i32
      %mul3A_93 = arith.muli %add3A_91, %mul3A_92 : i32
      %swap3A_94 = arith.index_cast %mul3A_93 : i32 to index
      %swap3A_95 = tpu.vector_load %arg5[%swap3A_94] {strides = array<i32>} : memref<32768xf32, #tpu.memory_space<vmem>>, vector<16xf32>,
      tpu.vector_store %arg5[%swap3A_94], %broadcast_in_dim3A_3 {strides = array<i32>} : memref<32768xf32, #tpu.memory_space<vmem>>, vector<16xf32>,
      %mul3A_96 = arith.constant 8 : i32
      %mul3A_97 = arith.muli %scan3A_48, %mul3A_96 : i32
      %add3A_98 = arith.constant 6 : i32
      %add3A_99 = arith.addi %mul3A_97, %add3A_98 : i32
      %mul3A_100 = arith.constant 16 : i32
      %mul3A_101 = arith.muli %add3A_99, %mul3A_100 : i32
      %swap3A_102 = arith.index_cast %mul3A_101 : i32 to index
      %swap3A_103 = tpu.vector_load %arg5[%swap3A_102] {strides = array<i32>} : memref<32768xf32, #tpu.memory_space<vmem>>, vector<16xf32>,
      tpu.vector_store %arg5[%swap3A_102], %broadcast_in_dim3A_3 {strides = array<i32>} : memref<32768xf32, #tpu.memory_space<vmem>>, vector<16xf32>,
      %mul3A_104 = arith.constant 8 : i32
      %mul3A_105 = arith.muli %scan3A_48, %mul3A_104 : i32
      %add3A_106 = arith.constant 7 : i32
      %add3A_107 = arith.addi %mul3A_105, %add3A_106 : i32
      %mul3A_108 = arith.constant 16 : i32
      %mul3A_109 = arith.muli %add3A_107, %mul3A_108 : i32
      %swap3A_110 = arith.index_cast %mul3A_109 : i32 to index
      %swap3A_111 = tpu.vector_load %arg5[%swap3A_110] {strides = array<i32>} : memref<32768xf32, #tpu.memory_space<vmem>>, vector<16xf32>,
      tpu.vector_store %arg5[%swap3A_110], %broadcast_in_dim3A_3 {strides = array<i32>} : memref<32768xf32, #tpu.memory_space<vmem>>, vector<16xf32>,
    }
    %scan3A_8 = arith.constant 256 : i32
    %mul3A_9 = arith.constant 4 : i32
    %mul3A_10 = arith.muli %add3A, %mul3A_9 : i32
    %add3A_11 = arith.constant 0 : i32
    %add3A_12 = arith.addi %mul3A_10, %add3A_11 : i32
    %dma_start3A = arith.constant 0 : i32
    %dma_start3A_13 = arith.constant 0 : i32
    %dma_start3A_14 = arith.constant 0 : i32
    %dma_start3A_15 = arith.constant 0 : i32
    %dma_start3A_16 = arith.constant 0 : i32
    %dma_start3A_17 = tpu.memref_slice %arg4[%dma_start3A, %dma_start3A_14, %dma_start3A_15, %dma_start3A_16] : memref<2x3x28x224xi32, #tpu.memory_space<vmem>> -> memref<1x3x28x224xi32, #tpu.memory_space<vmem>>
    %dma_start3A_18 = tpu.memref_squeeze %dma_start3A_17 : memref<1x3x28x224xi32, #tpu.memory_space<vmem>> -> memref<3x28x224xi32, #tpu.memory_space<vmem>>
    %dma_start3A_19 = arith.constant 0 : i32
    %dma_start3A_20 = arith.constant 0 : i32
    %dma_start3A_21 = arith.constant 0 : i32
    %dma_start3A_22 = tpu.memref_slice %arg2[%add3A_12, %dma_start3A_19, %dma_start3A_20, %dma_start3A_21] : memref<128x3x224x224xi32, #tpu.memory_space<hbm>> -> memref<1x3x28x224xi32, #tpu.memory_space<hbm>>
    %dma_start3A_23 = tpu.memref_squeeze %dma_start3A_22 : memref<1x3x28x224xi32, #tpu.memory_space<hbm>> -> memref<3x28x224xi32, #tpu.memory_space<hbm>>
    %dma_start3A_24 = tpu.memref_slice %arg7[%dma_start3A_13] : memref<2x!tpu.dma_semaphore, #tpu.memory_space<semaphore_mem>> -> memref<1x!tpu.dma_semaphore, #tpu.memory_space<semaphore_mem>>
    %dma_start3A_25 = tpu.memref_squeeze %dma_start3A_24 : memref<1x!tpu.dma_semaphore, #tpu.memory_space<semaphore_mem>> -> memref<!tpu.dma_semaphore, #tpu.memory_space<semaphore_mem>>
    %dma_start3A_26 = arith.constant 0 : i32
    %dma_start3A_27 = arith.constant 0 : i32
    %dma_start3A_28 = arith.constant 0 : i32
    %dma_start3A_29 = tpu.memref_slice %arg4[%dma_start3A, %dma_start3A_26, %dma_start3A_27, %dma_start3A_28] : memref<2x3x28x224xi32, #tpu.memory_space<vmem>> -> memref<1x3x28x224xi32, #tpu.memory_space<vmem>>
    %dma_start3A_30 = tpu.memref_squeeze %dma_start3A_29 : memref<1x3x28x224xi32, #tpu.memory_space<vmem>> -> memref<3x28x224xi32, #tpu.memory_space<vmem>>
    %dma_start3A_31 = arith.constant 0 : i32
    %dma_start3A_32 = arith.constant 0 : i32
    %dma_start3A_33 = arith.constant 0 : i32
    %dma_start3A_34 = tpu.memref_slice %arg2[%add3A_12, %dma_start3A_31, %dma_start3A_32, %dma_start3A_33] : memref<128x3x224x224xi32, #tpu.memory_space<hbm>> -> memref<1x3x28x224xi32, #tpu.memory_space<hbm>>
    %dma_start3A_35 = tpu.memref_squeeze %dma_start3A_34 : memref<1x3x28x224xi32, #tpu.memory_space<hbm>> -> memref<3x28x224xi32, #tpu.memory_space<hbm>>
    tpu.enqueue_dma source(%dma_start3A_35 : memref<3x28x224xi32, #tpu.memory_space<hbm>>) target(%dma_start3A_30 : memref<3x28x224xi32, #tpu.memory_space<vmem>>) target_semaphore(%dma_start3A_25 : memref<!tpu.dma_semaphore, #tpu.memory_space<semaphore_mem>>)
    %scan3A_36 = arith.constant 0 : i32
    %scan3A_37 = arith.constant 0 : i32
    %scan3A_38 = arith.constant 32 : i32
    %scan3A_39 = arith.addi %scan3A_37, %scan3A_38 : i32
    %scan3A_40 = arith.constant 1 : i32
    scf.for %scan3A_48 = %scan3A_37 to %scan3A_39 step %scan3A_40  : i32 {
      %and3A = arith.constant 1 : i32
      %and3A_49 = arith.andi %scan3A_48, %and3A : i32
      %lt3A = arith.constant 31 : i32
      %lt3A_50 = arith.cmpi slt, %scan3A_48, %lt3A : i32
      %convert_element_type3A = arith.extui %lt3A_50 : i1 to i32
      %cond3A = arith.constant 0 : i32
      %cond3A_51 = arith.cmpi ne, %convert_element_type3A, %cond3A : i32
      scf.if %cond3A_51 {
        %add3A_86 = arith.constant 1 : i32
        %add3A_87 = arith.addi %scan3A_48, %add3A_86 : i32
        %sub3A = arith.constant 1 : i32
        %sub3A_88 = arith.subi %sub3A, %and3A_49 : i32
        %shift_right_arithmetic3A_89 = arith.constant 3 : i32
        %shift_right_arithmetic3A_90 = arith.shrsi %add3A_87, %shift_right_arithmetic3A_89 : i32
        %and3A_91 = arith.constant 7 : i32
        %and3A_92 = arith.andi %add3A_87, %and3A_91 : i32
        %mul3A_93 = arith.constant 4 : i32
        %mul3A_94 = arith.muli %add3A, %mul3A_93 : i32
        %add3A_95 = arith.addi %mul3A_94, %shift_right_arithmetic3A_90 : i32
        %mul3A_96 = arith.constant 28 : i32
        %mul3A_97 = arith.muli %and3A_92, %mul3A_96 : i32
        %dma_start3A_98 = arith.constant 0 : i32
        %dma_start3A_99 = arith.constant 0 : i32
        %dma_start3A_100 = arith.constant 0 : i32
        %dma_start3A_101 = tpu.memref_slice %arg4[%sub3A_88, %dma_start3A_98, %dma_start3A_99, %dma_start3A_100] : memref<2x3x28x224xi32, #tpu.memory_space<vmem>> -> memref<1x3x28x224xi32, #tpu.memory_space<vmem>>
        %dma_start3A_102 = tpu.memref_squeeze %dma_start3A_101 : memref<1x3x28x224xi32, #tpu.memory_space<vmem>> -> memref<3x28x224xi32, #tpu.memory_space<vmem>>
        %dma_start3A_103 = arith.constant 0 : i32
        %dma_start3A_104 = arith.constant 0 : i32
        %dma_start3A_105 = tpu.memref_slice %arg2[%add3A_95, %dma_start3A_103, %mul3A_97, %dma_start3A_104] : memref<128x3x224x224xi32, #tpu.memory_space<hbm>> -> memref<1x3x28x224xi32, #tpu.memory_space<hbm>>
        %dma_start3A_106 = tpu.memref_squeeze %dma_start3A_105 : memref<1x3x28x224xi32, #tpu.memory_space<hbm>> -> memref<3x28x224xi32, #tpu.memory_space<hbm>>
        %dma_start3A_107 = tpu.memref_slice %arg7[%sub3A_88] : memref<2x!tpu.dma_semaphore, #tpu.memory_space<semaphore_mem>> -> memref<1x!tpu.dma_semaphore, #tpu.memory_space<semaphore_mem>>
        %dma_start3A_108 = tpu.memref_squeeze %dma_start3A_107 : memref<1x!tpu.dma_semaphore, #tpu.memory_space<semaphore_mem>> -> memref<!tpu.dma_semaphore, #tpu.memory_space<semaphore_mem>>
        %dma_start3A_109 = arith.constant 0 : i32
        %dma_start3A_110 = arith.constant 0 : i32
        %dma_start3A_111 = arith.constant 0 : i32
        %dma_start3A_112 = tpu.memref_slice %arg4[%sub3A_88, %dma_start3A_109, %dma_start3A_110, %dma_start3A_111] : memref<2x3x28x224xi32, #tpu.memory_space<vmem>> -> memref<1x3x28x224xi32, #tpu.memory_space<vmem>>
        %dma_start3A_113 = tpu.memref_squeeze %dma_start3A_112 : memref<1x3x28x224xi32, #tpu.memory_space<vmem>> -> memref<3x28x224xi32, #tpu.memory_space<vmem>>
        %dma_start3A_114 = arith.constant 0 : i32
        %dma_start3A_115 = arith.constant 0 : i32
        %dma_start3A_116 = tpu.memref_slice %arg2[%add3A_95, %dma_start3A_114, %mul3A_97, %dma_start3A_115] : memref<128x3x224x224xi32, #tpu.memory_space<hbm>> -> memref<1x3x28x224xi32, #tpu.memory_space<hbm>>
        %dma_start3A_117 = tpu.memref_squeeze %dma_start3A_116 : memref<1x3x28x224xi32, #tpu.memory_space<hbm>> -> memref<3x28x224xi32, #tpu.memory_space<hbm>>
        tpu.enqueue_dma source(%dma_start3A_117 : memref<3x28x224xi32, #tpu.memory_space<hbm>>) target(%dma_start3A_113 : memref<3x28x224xi32, #tpu.memory_space<vmem>>) target_semaphore(%dma_start3A_108 : memref<!tpu.dma_semaphore, #tpu.memory_space<semaphore_mem>>)
      } else {
      }
      %shift_right_arithmetic3A = arith.constant 3 : i32
      %shift_right_arithmetic3A_52 = arith.shrsi %scan3A_48, %shift_right_arithmetic3A : i32
      %and3A_53 = arith.constant 7 : i32
      %and3A_54 = arith.andi %scan3A_48, %and3A_53 : i32
      %mul3A_55 = arith.constant 4 : i32
      %mul3A_56 = arith.muli %add3A, %mul3A_55 : i32
      %add3A_57 = arith.addi %mul3A_56, %shift_right_arithmetic3A_52 : i32
      %mul3A_58 = arith.constant 28 : i32
      %mul3A_59 = arith.muli %and3A_54, %mul3A_58 : i32
      %dma_wait3A = arith.constant 0 : i32
      %dma_wait3A_60 = arith.constant 0 : i32
      %dma_wait3A_61 = arith.constant 0 : i32
      %dma_wait3A_62 = tpu.memref_slice %arg4[%and3A_49, %dma_wait3A, %dma_wait3A_60, %dma_wait3A_61] : memref<2x3x28x224xi32, #tpu.memory_space<vmem>> -> memref<1x3x28x224xi32, #tpu.memory_space<vmem>>
      %dma_wait3A_63 = tpu.memref_squeeze %dma_wait3A_62 : memref<1x3x28x224xi32, #tpu.memory_space<vmem>> -> memref<3x28x224xi32, #tpu.memory_space<vmem>>
      %dma_wait3A_64 = arith.constant 0 : i32
      %dma_wait3A_65 = arith.constant 0 : i32
      %dma_wait3A_66 = tpu.memref_slice %arg2[%add3A_57, %dma_wait3A_64, %mul3A_59, %dma_wait3A_65] : memref<128x3x224x224xi32, #tpu.memory_space<hbm>> -> memref<1x3x28x224xi32, #tpu.memory_space<hbm>>
      %dma_wait3A_67 = tpu.memref_squeeze %dma_wait3A_66 : memref<1x3x28x224xi32, #tpu.memory_space<hbm>> -> memref<3x28x224xi32, #tpu.memory_space<hbm>>
      %dma_wait3A_68 = tpu.memref_slice %arg7[%and3A_49] : memref<2x!tpu.dma_semaphore, #tpu.memory_space<semaphore_mem>> -> memref<1x!tpu.dma_semaphore, #tpu.memory_space<semaphore_mem>>
      %dma_wait3A_69 = tpu.memref_squeeze %dma_wait3A_68 : memref<1x!tpu.dma_semaphore, #tpu.memory_space<semaphore_mem>> -> memref<!tpu.dma_semaphore, #tpu.memory_space<semaphore_mem>>
      %dma_wait3A_70 = arith.constant 0 : i32
      %dma_wait3A_71 = arith.constant 0 : i32
      %dma_wait3A_72 = arith.constant 0 : i32
      %dma_wait3A_73 = tpu.memref_slice %arg4[%and3A_49, %dma_wait3A_70, %dma_wait3A_71, %dma_wait3A_72] : memref<2x3x28x224xi32, #tpu.memory_space<vmem>> -> memref<1x3x28x224xi32, #tpu.memory_space<vmem>>
      %dma_wait3A_74 = tpu.memref_squeeze %dma_wait3A_73 : memref<1x3x28x224xi32, #tpu.memory_space<vmem>> -> memref<3x28x224xi32, #tpu.memory_space<vmem>>
      %dma_wait3A_75 = arith.constant 0 : i32
      %dma_wait3A_76 = arith.constant 0 : i32
      %dma_wait3A_77 = tpu.memref_slice %arg2[%add3A_57, %dma_wait3A_75, %mul3A_59, %dma_wait3A_76] : memref<128x3x224x224xi32, #tpu.memory_space<hbm>> -> memref<1x3x28x224xi32, #tpu.memory_space<hbm>>
      %dma_wait3A_78 = tpu.memref_squeeze %dma_wait3A_77 : memref<1x3x28x224xi32, #tpu.memory_space<hbm>> -> memref<3x28x224xi32, #tpu.memory_space<hbm>>
      tpu.wait_dma2 semaphore(%dma_wait3A_69 : memref<!tpu.dma_semaphore, #tpu.memory_space<semaphore_mem>>) src(%dma_wait3A_78 : memref<3x28x224xi32, #tpu.memory_space<hbm>>) dst(%dma_wait3A_74 : memref<3x28x224xi32, #tpu.memory_space<vmem>>)
      %shift_right_arithmetic3A_79 = arith.constant 3 : i32
      %shift_right_arithmetic3A_80 = arith.shrsi %scan3A_48, %shift_right_arithmetic3A_79 : i32
      %shift_left3A = arith.constant 13 : i32
      %shift_left3A_81 = arith.shli %shift_right_arithmetic3A_80, %shift_left3A : i32
      %add3A_82 = vector.broadcast %shift_left3A_81 : i32 to vector<16xi32>
      %add3A_83 = arith.addi %iota3A, %add3A_82 : vector<16xi32>
      %parallel_loop3A = arith.constant 0 : i32
      %parallel_loop3A_84 = arith.constant 28 : i32
      %parallel_loop3A_85 = arith.constant 1 : i32
      scf.for %parallel_loop3A_86 = %parallel_loop3A to %parallel_loop3A_84 step %parallel_loop3A_85  : i32 {
        %parallel_loop3A_87 = arith.constant 0 : i32
        %parallel_loop3A_88 = arith.index_cast %and3A_49 : i32 to index
        %parallel_loop3A_89 = arith.index_cast %parallel_loop3A_87 : i32 to index
        %parallel_loop3A_90 = arith.index_cast %parallel_loop3A_86 : i32 to index
        %parallel_loop3A_91 = arith.constant 0 : index
        %parallel_loop3A_92 = tpu.vector_load %arg4[%parallel_loop3A_88, %parallel_loop3A_89, %parallel_loop3A_90, %parallel_loop3A_91] {strides = array<i32>} : memref<2x3x28x224xi32, #tpu.memory_space<vmem>>, vector<16xi32>,
        %parallel_loop3A_93 = arith.constant 1 : i32
        %parallel_loop3A_94 = arith.index_cast %and3A_49 : i32 to index
        %parallel_loop3A_95 = arith.index_cast %parallel_loop3A_93 : i32 to index
        %parallel_loop3A_96 = arith.index_cast %parallel_loop3A_86 : i32 to index
        %parallel_loop3A_97 = arith.constant 0 : index
        %parallel_loop3A_98 = tpu.vector_load %arg4[%parallel_loop3A_94, %parallel_loop3A_95, %parallel_loop3A_96, %parallel_loop3A_97] {strides = array<i32>} : memref<2x3x28x224xi32, #tpu.memory_space<vmem>>, vector<16xi32>,
        %parallel_loop3A_99 = arith.constant 2 : i32
        %parallel_loop3A_100 = arith.index_cast %and3A_49 : i32 to index
        %parallel_loop3A_101 = arith.index_cast %parallel_loop3A_99 : i32 to index
        %parallel_loop3A_102 = arith.index_cast %parallel_loop3A_86 : i32 to index
        %parallel_loop3A_103 = arith.constant 0 : index
        %parallel_loop3A_104 = tpu.vector_load %arg4[%parallel_loop3A_100, %parallel_loop3A_101, %parallel_loop3A_102, %parallel_loop3A_103] {strides = array<i32>} : memref<2x3x28x224xi32, #tpu.memory_space<vmem>>, vector<16xi32>,
        %parallel_loop3A_105 = arith.constant 224 : i32
        %parallel_loop3A_106 = vector.broadcast %parallel_loop3A_105 : i32 to vector<16xi32>
        %parallel_loop3A_107 = arith.andi %parallel_loop3A_92, %parallel_loop3A_106 : vector<16xi32>
        %parallel_loop3A_108 = arith.constant 5 : i32
        %parallel_loop3A_109 = vector.broadcast %parallel_loop3A_108 : i32 to vector<16xi32>
        %parallel_loop3A_110 = arith.shli %parallel_loop3A_107, %parallel_loop3A_109 : vector<16xi32>
        %parallel_loop3A_111 = arith.constant 224 : i32
        %parallel_loop3A_112 = vector.broadcast %parallel_loop3A_111 : i32 to vector<16xi32>
        %parallel_loop3A_113 = arith.andi %parallel_loop3A_98, %parallel_loop3A_112 : vector<16xi32>
        %parallel_loop3A_114 = arith.constant 2 : i32
        %parallel_loop3A_115 = vector.broadcast %parallel_loop3A_114 : i32 to vector<16xi32>
        %parallel_loop3A_116 = arith.shli %parallel_loop3A_113, %parallel_loop3A_115 : vector<16xi32>
        %parallel_loop3A_117 = arith.addi %parallel_loop3A_110, %parallel_loop3A_116 : vector<16xi32>
        %parallel_loop3A_118 = arith.constant 224 : i32
        %parallel_loop3A_119 = vector.broadcast %parallel_loop3A_118 : i32 to vector<16xi32>
        %parallel_loop3A_120 = arith.andi %parallel_loop3A_104, %parallel_loop3A_119 : vector<16xi32>
        %parallel_loop3A_121 = arith.constant 1 : i32
        %parallel_loop3A_122 = vector.broadcast %parallel_loop3A_121 : i32 to vector<16xi32>
        %parallel_loop3A_123 = arith.shrsi %parallel_loop3A_120, %parallel_loop3A_122 : vector<16xi32>
        %parallel_loop3A_124 = arith.addi %parallel_loop3A_117, %parallel_loop3A_123 : vector<16xi32>
        %parallel_loop3A_125 = arith.addi %parallel_loop3A_124, %add3A_83 : vector<16xi32>
        tpu.vector_store_idx %arg5[%parallel_loop3A_125], %broadcast_in_dim3A_1 {add = true} : memref<32768xf32, #tpu.memory_space<vmem>>[vector<16xi32>], vector<16xf32>,
        %parallel_loop3A_126 = arith.constant 0 : i32
        %parallel_loop3A_127 = arith.index_cast %and3A_49 : i32 to index
        %parallel_loop3A_128 = arith.index_cast %parallel_loop3A_126 : i32 to index
        %parallel_loop3A_129 = arith.index_cast %parallel_loop3A_86 : i32 to index
        %parallel_loop3A_130 = arith.constant 16 : index
        %parallel_loop3A_131 = tpu.vector_load %arg4[%parallel_loop3A_127, %parallel_loop3A_128, %parallel_loop3A_129, %parallel_loop3A_130] {strides = array<i32>} : memref<2x3x28x224xi32, #tpu.memory_space<vmem>>, vector<16xi32>,
        %parallel_loop3A_132 = arith.constant 1 : i32
        %parallel_loop3A_133 = arith.index_cast %and3A_49 : i32 to index
        %parallel_loop3A_134 = arith.index_cast %parallel_loop3A_132 : i32 to index
        %parallel_loop3A_135 = arith.index_cast %parallel_loop3A_86 : i32 to index
        %parallel_loop3A_136 = arith.constant 16 : index
        %parallel_loop3A_137 = tpu.vector_load %arg4[%parallel_loop3A_133, %parallel_loop3A_134, %parallel_loop3A_135, %parallel_loop3A_136] {strides = array<i32>} : memref<2x3x28x224xi32, #tpu.memory_space<vmem>>, vector<16xi32>,
        %parallel_loop3A_138 = arith.constant 2 : i32
        %parallel_loop3A_139 = arith.index_cast %and3A_49 : i32 to index
        %parallel_loop3A_140 = arith.index_cast %parallel_loop3A_138 : i32 to index
        %parallel_loop3A_141 = arith.index_cast %parallel_loop3A_86 : i32 to index
        %parallel_loop3A_142 = arith.constant 16 : index
        %parallel_loop3A_143 = tpu.vector_load %arg4[%parallel_loop3A_139, %parallel_loop3A_140, %parallel_loop3A_141, %parallel_loop3A_142] {strides = array<i32>} : memref<2x3x28x224xi32, #tpu.memory_space<vmem>>, vector<16xi32>,
        %parallel_loop3A_144 = arith.constant 224 : i32
        %parallel_loop3A_145 = vector.broadcast %parallel_loop3A_144 : i32 to vector<16xi32>
        %parallel_loop3A_146 = arith.andi %parallel_loop3A_131, %parallel_loop3A_145 : vector<16xi32>
        %parallel_loop3A_147 = arith.constant 5 : i32
        %parallel_loop3A_148 = vector.broadcast %parallel_loop3A_147 : i32 to vector<16xi32>
        %parallel_loop3A_149 = arith.shli %parallel_loop3A_146, %parallel_loop3A_148 : vector<16xi32>
        %parallel_loop3A_150 = arith.constant 224 : i32
        %parallel_loop3A_151 = vector.broadcast %parallel_loop3A_150 : i32 to vector<16xi32>
        %parallel_loop3A_152 = arith.andi %parallel_loop3A_137, %parallel_loop3A_151 : vector<16xi32>
        %parallel_loop3A_153 = arith.constant 2 : i32
        %parallel_loop3A_154 = vector.broadcast %parallel_loop3A_153 : i32 to vector<16xi32>
        %parallel_loop3A_155 = arith.shli %parallel_loop3A_152, %parallel_loop3A_154 : vector<16xi32>
        %parallel_loop3A_156 = arith.addi %parallel_loop3A_149, %parallel_loop3A_155 : vector<16xi32>
        %parallel_loop3A_157 = arith.constant 224 : i32
        %parallel_loop3A_158 = vector.broadcast %parallel_loop3A_157 : i32 to vector<16xi32>
        %parallel_loop3A_159 = arith.andi %parallel_loop3A_143, %parallel_loop3A_158 : vector<16xi32>
        %parallel_loop3A_160 = arith.constant 1 : i32
        %parallel_loop3A_161 = vector.broadcast %parallel_loop3A_160 : i32 to vector<16xi32>
        %parallel_loop3A_162 = arith.shrsi %parallel_loop3A_159, %parallel_loop3A_161 : vector<16xi32>
        %parallel_loop3A_163 = arith.addi %parallel_loop3A_156, %parallel_loop3A_162 : vector<16xi32>
        %parallel_loop3A_164 = arith.addi %parallel_loop3A_163, %add3A_83 : vector<16xi32>
        tpu.vector_store_idx %arg5[%parallel_loop3A_164], %broadcast_in_dim3A_1 {add = true} : memref<32768xf32, #tpu.memory_space<vmem>>[vector<16xi32>], vector<16xf32>,
        %parallel_loop3A_165 = arith.constant 0 : i32
        %parallel_loop3A_166 = arith.index_cast %and3A_49 : i32 to index
        %parallel_loop3A_167 = arith.index_cast %parallel_loop3A_165 : i32 to index
        %parallel_loop3A_168 = arith.index_cast %parallel_loop3A_86 : i32 to index
        %parallel_loop3A_169 = arith.constant 32 : index
        %parallel_loop3A_170 = tpu.vector_load %arg4[%parallel_loop3A_166, %parallel_loop3A_167, %parallel_loop3A_168, %parallel_loop3A_169] {strides = array<i32>} : memref<2x3x28x224xi32, #tpu.memory_space<vmem>>, vector<16xi32>,
        %parallel_loop3A_171 = arith.constant 1 : i32
        %parallel_loop3A_172 = arith.index_cast %and3A_49 : i32 to index
        %parallel_loop3A_173 = arith.index_cast %parallel_loop3A_171 : i32 to index
        %parallel_loop3A_174 = arith.index_cast %parallel_loop3A_86 : i32 to index
        %parallel_loop3A_175 = arith.constant 32 : index
        %parallel_loop3A_176 = tpu.vector_load %arg4[%parallel_loop3A_172, %parallel_loop3A_173, %parallel_loop3A_174, %parallel_loop3A_175] {strides = array<i32>} : memref<2x3x28x224xi32, #tpu.memory_space<vmem>>, vector<16xi32>,
        %parallel_loop3A_177 = arith.constant 2 : i32
        %parallel_loop3A_178 = arith.index_cast %and3A_49 : i32 to index
        %parallel_loop3A_179 = arith.index_cast %parallel_loop3A_177 : i32 to index
        %parallel_loop3A_180 = arith.index_cast %parallel_loop3A_86 : i32 to index
        %parallel_loop3A_181 = arith.constant 32 : index
        %parallel_loop3A_182 = tpu.vector_load %arg4[%parallel_loop3A_178, %parallel_loop3A_179, %parallel_loop3A_180, %parallel_loop3A_181] {strides = array<i32>} : memref<2x3x28x224xi32, #tpu.memory_space<vmem>>, vector<16xi32>,
        %parallel_loop3A_183 = arith.constant 224 : i32
        %parallel_loop3A_184 = vector.broadcast %parallel_loop3A_183 : i32 to vector<16xi32>
        %parallel_loop3A_185 = arith.andi %parallel_loop3A_170, %parallel_loop3A_184 : vector<16xi32>
        %parallel_loop3A_186 = arith.constant 5 : i32
        %parallel_loop3A_187 = vector.broadcast %parallel_loop3A_186 : i32 to vector<16xi32>
        %parallel_loop3A_188 = arith.shli %parallel_loop3A_185, %parallel_loop3A_187 : vector<16xi32>
        %parallel_loop3A_189 = arith.constant 224 : i32
        %parallel_loop3A_190 = vector.broadcast %parallel_loop3A_189 : i32 to vector<16xi32>
        %parallel_loop3A_191 = arith.andi %parallel_loop3A_176, %parallel_loop3A_190 : vector<16xi32>
        %parallel_loop3A_192 = arith.constant 2 : i32
        %parallel_loop3A_193 = vector.broadcast %parallel_loop3A_192 : i32 to vector<16xi32>
        %parallel_loop3A_194 = arith.shli %parallel_loop3A_191, %parallel_loop3A_193 : vector<16xi32>
        %parallel_loop3A_195 = arith.addi %parallel_loop3A_188, %parallel_loop3A_194 : vector<16xi32>
        %parallel_loop3A_196 = arith.constant 224 : i32
        %parallel_loop3A_197 = vector.broadcast %parallel_loop3A_196 : i32 to vector<16xi32>
        %parallel_loop3A_198 = arith.andi %parallel_loop3A_182, %parallel_loop3A_197 : vector<16xi32>
        %parallel_loop3A_199 = arith.constant 1 : i32
        %parallel_loop3A_200 = vector.broadcast %parallel_loop3A_199 : i32 to vector<16xi32>
        %parallel_loop3A_201 = arith.shrsi %parallel_loop3A_198, %parallel_loop3A_200 : vector<16xi32>
        %parallel_loop3A_202 = arith.addi %parallel_loop3A_195, %parallel_loop3A_201 : vector<16xi32>
        %parallel_loop3A_203 = arith.addi %parallel_loop3A_202, %add3A_83 : vector<16xi32>
        tpu.vector_store_idx %arg5[%parallel_loop3A_203], %broadcast_in_dim3A_1 {add = true} : memref<32768xf32, #tpu.memory_space<vmem>>[vector<16xi32>], vector<16xf32>,
        %parallel_loop3A_204 = arith.constant 0 : i32
        %parallel_loop3A_205 = arith.index_cast %and3A_49 : i32 to index
        %parallel_loop3A_206 = arith.index_cast %parallel_loop3A_204 : i32 to index
        %parallel_loop3A_207 = arith.index_cast %parallel_loop3A_86 : i32 to index
        %parallel_loop3A_208 = arith.constant 48 : index
        %parallel_loop3A_209 = tpu.vector_load %arg4[%parallel_loop3A_205, %parallel_loop3A_206, %parallel_loop3A_207, %parallel_loop3A_208] {strides = array<i32>} : memref<2x3x28x224xi32, #tpu.memory_space<vmem>>, vector<16xi32>,
        %parallel_loop3A_210 = arith.constant 1 : i32
        %parallel_loop3A_211 = arith.index_cast %and3A_49 : i32 to index
        %parallel_loop3A_212 = arith.index_cast %parallel_loop3A_210 : i32 to index
        %parallel_loop3A_213 = arith.index_cast %parallel_loop3A_86 : i32 to index
        %parallel_loop3A_214 = arith.constant 48 : index
        %parallel_loop3A_215 = tpu.vector_load %arg4[%parallel_loop3A_211, %parallel_loop3A_212, %parallel_loop3A_213, %parallel_loop3A_214] {strides = array<i32>} : memref<2x3x28x224xi32, #tpu.memory_space<vmem>>, vector<16xi32>,
        %parallel_loop3A_216 = arith.constant 2 : i32
        %parallel_loop3A_217 = arith.index_cast %and3A_49 : i32 to index
        %parallel_loop3A_218 = arith.index_cast %parallel_loop3A_216 : i32 to index
        %parallel_loop3A_219 = arith.index_cast %parallel_loop3A_86 : i32 to index
        %parallel_loop3A_220 = arith.constant 48 : index
        %parallel_loop3A_221 = tpu.vector_load %arg4[%parallel_loop3A_217, %parallel_loop3A_218, %parallel_loop3A_219, %parallel_loop3A_220] {strides = array<i32>} : memref<2x3x28x224xi32, #tpu.memory_space<vmem>>, vector<16xi32>,
        %parallel_loop3A_222 = arith.constant 224 : i32
        %parallel_loop3A_223 = vector.broadcast %parallel_loop3A_222 : i32 to vector<16xi32>
        %parallel_loop3A_224 = arith.andi %parallel_loop3A_209, %parallel_loop3A_223 : vector<16xi32>
        %parallel_loop3A_225 = arith.constant 5 : i32
        %parallel_loop3A_226 = vector.broadcast %parallel_loop3A_225 : i32 to vector<16xi32>
        %parallel_loop3A_227 = arith.shli %parallel_loop3A_224, %parallel_loop3A_226 : vector<16xi32>
        %parallel_loop3A_228 = arith.constant 224 : i32
        %parallel_loop3A_229 = vector.broadcast %parallel_loop3A_228 : i32 to vector<16xi32>
        %parallel_loop3A_230 = arith.andi %parallel_loop3A_215, %parallel_loop3A_229 : vector<16xi32>
        %parallel_loop3A_231 = arith.constant 2 : i32
        %parallel_loop3A_232 = vector.broadcast %parallel_loop3A_231 : i32 to vector<16xi32>
        %parallel_loop3A_233 = arith.shli %parallel_loop3A_230, %parallel_loop3A_232 : vector<16xi32>
        %parallel_loop3A_234 = arith.addi %parallel_loop3A_227, %parallel_loop3A_233 : vector<16xi32>
        %parallel_loop3A_235 = arith.constant 224 : i32
        %parallel_loop3A_236 = vector.broadcast %parallel_loop3A_235 : i32 to vector<16xi32>
        %parallel_loop3A_237 = arith.andi %parallel_loop3A_221, %parallel_loop3A_236 : vector<16xi32>
        %parallel_loop3A_238 = arith.constant 1 : i32
        %parallel_loop3A_239 = vector.broadcast %parallel_loop3A_238 : i32 to vector<16xi32>
        %parallel_loop3A_240 = arith.shrsi %parallel_loop3A_237, %parallel_loop3A_239 : vector<16xi32>
        %parallel_loop3A_241 = arith.addi %parallel_loop3A_234, %parallel_loop3A_240 : vector<16xi32>
        %parallel_loop3A_242 = arith.addi %parallel_loop3A_241, %add3A_83 : vector<16xi32>
        tpu.vector_store_idx %arg5[%parallel_loop3A_242], %broadcast_in_dim3A_1 {add = true} : memref<32768xf32, #tpu.memory_space<vmem>>[vector<16xi32>], vector<16xf32>,
        %parallel_loop3A_243 = arith.constant 0 : i32
        %parallel_loop3A_244 = arith.index_cast %and3A_49 : i32 to index
        %parallel_loop3A_245 = arith.index_cast %parallel_loop3A_243 : i32 to index
        %parallel_loop3A_246 = arith.index_cast %parallel_loop3A_86 : i32 to index
        %parallel_loop3A_247 = arith.constant 64 : index
        %parallel_loop3A_248 = tpu.vector_load %arg4[%parallel_loop3A_244, %parallel_loop3A_245, %parallel_loop3A_246, %parallel_loop3A_247] {strides = array<i32>} : memref<2x3x28x224xi32, #tpu.memory_space<vmem>>, vector<16xi32>,
        %parallel_loop3A_249 = arith.constant 1 : i32
        %parallel_loop3A_250 = arith.index_cast %and3A_49 : i32 to index
        %parallel_loop3A_251 = arith.index_cast %parallel_loop3A_249 : i32 to index
        %parallel_loop3A_252 = arith.index_cast %parallel_loop3A_86 : i32 to index
        %parallel_loop3A_253 = arith.constant 64 : index
        %parallel_loop3A_254 = tpu.vector_load %arg4[%parallel_loop3A_250, %parallel_loop3A_251, %parallel_loop3A_252, %parallel_loop3A_253] {strides = array<i32>} : memref<2x3x28x224xi32, #tpu.memory_space<vmem>>, vector<16xi32>,
        %parallel_loop3A_255 = arith.constant 2 : i32
        %parallel_loop3A_256 = arith.index_cast %and3A_49 : i32 to index
        %parallel_loop3A_257 = arith.index_cast %parallel_loop3A_255 : i32 to index
        %parallel_loop3A_258 = arith.index_cast %parallel_loop3A_86 : i32 to index
        %parallel_loop3A_259 = arith.constant 64 : index
        %parallel_loop3A_260 = tpu.vector_load %arg4[%parallel_loop3A_256, %parallel_loop3A_257, %parallel_loop3A_258, %parallel_loop3A_259] {strides = array<i32>} : memref<2x3x28x224xi32, #tpu.memory_space<vmem>>, vector<16xi32>,
        %parallel_loop3A_261 = arith.constant 224 : i32
        %parallel_loop3A_262 = vector.broadcast %parallel_loop3A_261 : i32 to vector<16xi32>
        %parallel_loop3A_263 = arith.andi %parallel_loop3A_248, %parallel_loop3A_262 : vector<16xi32>
        %parallel_loop3A_264 = arith.constant 5 : i32
        %parallel_loop3A_265 = vector.broadcast %parallel_loop3A_264 : i32 to vector<16xi32>
        %parallel_loop3A_266 = arith.shli %parallel_loop3A_263, %parallel_loop3A_265 : vector<16xi32>
        %parallel_loop3A_267 = arith.constant 224 : i32
        %parallel_loop3A_268 = vector.broadcast %parallel_loop3A_267 : i32 to vector<16xi32>
        %parallel_loop3A_269 = arith.andi %parallel_loop3A_254, %parallel_loop3A_268 : vector<16xi32>
        %parallel_loop3A_270 = arith.constant 2 : i32
        %parallel_loop3A_271 = vector.broadcast %parallel_loop3A_270 : i32 to vector<16xi32>
        %parallel_loop3A_272 = arith.shli %parallel_loop3A_269, %parallel_loop3A_271 : vector<16xi32>
        %parallel_loop3A_273 = arith.addi %parallel_loop3A_266, %parallel_loop3A_272 : vector<16xi32>
        %parallel_loop3A_274 = arith.constant 224 : i32
        %parallel_loop3A_275 = vector.broadcast %parallel_loop3A_274 : i32 to vector<16xi32>
        %parallel_loop3A_276 = arith.andi %parallel_loop3A_260, %parallel_loop3A_275 : vector<16xi32>
        %parallel_loop3A_277 = arith.constant 1 : i32
        %parallel_loop3A_278 = vector.broadcast %parallel_loop3A_277 : i32 to vector<16xi32>
        %parallel_loop3A_279 = arith.shrsi %parallel_loop3A_276, %parallel_loop3A_278 : vector<16xi32>
        %parallel_loop3A_280 = arith.addi %parallel_loop3A_273, %parallel_loop3A_279 : vector<16xi32>
        %parallel_loop3A_281 = arith.addi %parallel_loop3A_280, %add3A_83 : vector<16xi32>
        tpu.vector_store_idx %arg5[%parallel_loop3A_281], %broadcast_in_dim3A_1 {add = true} : memref<32768xf32, #tpu.memory_space<vmem>>[vector<16xi32>], vector<16xf32>,
        %parallel_loop3A_282 = arith.constant 0 : i32
        %parallel_loop3A_283 = arith.index_cast %and3A_49 : i32 to index
        %parallel_loop3A_284 = arith.index_cast %parallel_loop3A_282 : i32 to index
        %parallel_loop3A_285 = arith.index_cast %parallel_loop3A_86 : i32 to index
        %parallel_loop3A_286 = arith.constant 80 : index
        %parallel_loop3A_287 = tpu.vector_load %arg4[%parallel_loop3A_283, %parallel_loop3A_284, %parallel_loop3A_285, %parallel_loop3A_286] {strides = array<i32>} : memref<2x3x28x224xi32, #tpu.memory_space<vmem>>, vector<16xi32>,
        %parallel_loop3A_288 = arith.constant 1 : i32
        %parallel_loop3A_289 = arith.index_cast %and3A_49 : i32 to index
        %parallel_loop3A_290 = arith.index_cast %parallel_loop3A_288 : i32 to index
        %parallel_loop3A_291 = arith.index_cast %parallel_loop3A_86 : i32 to index
        %parallel_loop3A_292 = arith.constant 80 : index
        %parallel_loop3A_293 = tpu.vector_load %arg4[%parallel_loop3A_289, %parallel_loop3A_290, %parallel_loop3A_291, %parallel_loop3A_292] {strides = array<i32>} : memref<2x3x28x224xi32, #tpu.memory_space<vmem>>, vector<16xi32>,
        %parallel_loop3A_294 = arith.constant 2 : i32
        %parallel_loop3A_295 = arith.index_cast %and3A_49 : i32 to index
        %parallel_loop3A_296 = arith.index_cast %parallel_loop3A_294 : i32 to index
        %parallel_loop3A_297 = arith.index_cast %parallel_loop3A_86 : i32 to index
        %parallel_loop3A_298 = arith.constant 80 : index
        %parallel_loop3A_299 = tpu.vector_load %arg4[%parallel_loop3A_295, %parallel_loop3A_296, %parallel_loop3A_297, %parallel_loop3A_298] {strides = array<i32>} : memref<2x3x28x224xi32, #tpu.memory_space<vmem>>, vector<16xi32>,
        %parallel_loop3A_300 = arith.constant 224 : i32
        %parallel_loop3A_301 = vector.broadcast %parallel_loop3A_300 : i32 to vector<16xi32>
        %parallel_loop3A_302 = arith.andi %parallel_loop3A_287, %parallel_loop3A_301 : vector<16xi32>
        %parallel_loop3A_303 = arith.constant 5 : i32
        %parallel_loop3A_304 = vector.broadcast %parallel_loop3A_303 : i32 to vector<16xi32>
        %parallel_loop3A_305 = arith.shli %parallel_loop3A_302, %parallel_loop3A_304 : vector<16xi32>
        %parallel_loop3A_306 = arith.constant 224 : i32
        %parallel_loop3A_307 = vector.broadcast %parallel_loop3A_306 : i32 to vector<16xi32>
        %parallel_loop3A_308 = arith.andi %parallel_loop3A_293, %parallel_loop3A_307 : vector<16xi32>
        %parallel_loop3A_309 = arith.constant 2 : i32
        %parallel_loop3A_310 = vector.broadcast %parallel_loop3A_309 : i32 to vector<16xi32>
        %parallel_loop3A_311 = arith.shli %parallel_loop3A_308, %parallel_loop3A_310 : vector<16xi32>
        %parallel_loop3A_312 = arith.addi %parallel_loop3A_305, %parallel_loop3A_311 : vector<16xi32>
        %parallel_loop3A_313 = arith.constant 224 : i32
        %parallel_loop3A_314 = vector.broadcast %parallel_loop3A_313 : i32 to vector<16xi32>
        %parallel_loop3A_315 = arith.andi %parallel_loop3A_299, %parallel_loop3A_314 : vector<16xi32>
        %parallel_loop3A_316 = arith.constant 1 : i32
        %parallel_loop3A_317 = vector.broadcast %parallel_loop3A_316 : i32 to vector<16xi32>
        %parallel_loop3A_318 = arith.shrsi %parallel_loop3A_315, %parallel_loop3A_317 : vector<16xi32>
        %parallel_loop3A_319 = arith.addi %parallel_loop3A_312, %parallel_loop3A_318 : vector<16xi32>
        %parallel_loop3A_320 = arith.addi %parallel_loop3A_319, %add3A_83 : vector<16xi32>
        tpu.vector_store_idx %arg5[%parallel_loop3A_320], %broadcast_in_dim3A_1 {add = true} : memref<32768xf32, #tpu.memory_space<vmem>>[vector<16xi32>], vector<16xf32>,
        %parallel_loop3A_321 = arith.constant 0 : i32
        %parallel_loop3A_322 = arith.index_cast %and3A_49 : i32 to index
        %parallel_loop3A_323 = arith.index_cast %parallel_loop3A_321 : i32 to index
        %parallel_loop3A_324 = arith.index_cast %parallel_loop3A_86 : i32 to index
        %parallel_loop3A_325 = arith.constant 96 : index
        %parallel_loop3A_326 = tpu.vector_load %arg4[%parallel_loop3A_322, %parallel_loop3A_323, %parallel_loop3A_324, %parallel_loop3A_325] {strides = array<i32>} : memref<2x3x28x224xi32, #tpu.memory_space<vmem>>, vector<16xi32>,
        %parallel_loop3A_327 = arith.constant 1 : i32
        %parallel_loop3A_328 = arith.index_cast %and3A_49 : i32 to index
        %parallel_loop3A_329 = arith.index_cast %parallel_loop3A_327 : i32 to index
        %parallel_loop3A_330 = arith.index_cast %parallel_loop3A_86 : i32 to index
        %parallel_loop3A_331 = arith.constant 96 : index
        %parallel_loop3A_332 = tpu.vector_load %arg4[%parallel_loop3A_328, %parallel_loop3A_329, %parallel_loop3A_330, %parallel_loop3A_331] {strides = array<i32>} : memref<2x3x28x224xi32, #tpu.memory_space<vmem>>, vector<16xi32>,
        %parallel_loop3A_333 = arith.constant 2 : i32
        %parallel_loop3A_334 = arith.index_cast %and3A_49 : i32 to index
        %parallel_loop3A_335 = arith.index_cast %parallel_loop3A_333 : i32 to index
        %parallel_loop3A_336 = arith.index_cast %parallel_loop3A_86 : i32 to index
        %parallel_loop3A_337 = arith.constant 96 : index
        %parallel_loop3A_338 = tpu.vector_load %arg4[%parallel_loop3A_334, %parallel_loop3A_335, %parallel_loop3A_336, %parallel_loop3A_337] {strides = array<i32>} : memref<2x3x28x224xi32, #tpu.memory_space<vmem>>, vector<16xi32>,
        %parallel_loop3A_339 = arith.constant 224 : i32
        %parallel_loop3A_340 = vector.broadcast %parallel_loop3A_339 : i32 to vector<16xi32>
        %parallel_loop3A_341 = arith.andi %parallel_loop3A_326, %parallel_loop3A_340 : vector<16xi32>
        %parallel_loop3A_342 = arith.constant 5 : i32
        %parallel_loop3A_343 = vector.broadcast %parallel_loop3A_342 : i32 to vector<16xi32>
        %parallel_loop3A_344 = arith.shli %parallel_loop3A_341, %parallel_loop3A_343 : vector<16xi32>
        %parallel_loop3A_345 = arith.constant 224 : i32
        %parallel_loop3A_346 = vector.broadcast %parallel_loop3A_345 : i32 to vector<16xi32>
        %parallel_loop3A_347 = arith.andi %parallel_loop3A_332, %parallel_loop3A_346 : vector<16xi32>
        %parallel_loop3A_348 = arith.constant 2 : i32
        %parallel_loop3A_349 = vector.broadcast %parallel_loop3A_348 : i32 to vector<16xi32>
        %parallel_loop3A_350 = arith.shli %parallel_loop3A_347, %parallel_loop3A_349 : vector<16xi32>
        %parallel_loop3A_351 = arith.addi %parallel_loop3A_344, %parallel_loop3A_350 : vector<16xi32>
        %parallel_loop3A_352 = arith.constant 224 : i32
        %parallel_loop3A_353 = vector.broadcast %parallel_loop3A_352 : i32 to vector<16xi32>
        %parallel_loop3A_354 = arith.andi %parallel_loop3A_338, %parallel_loop3A_353 : vector<16xi32>
        %parallel_loop3A_355 = arith.constant 1 : i32
        %parallel_loop3A_356 = vector.broadcast %parallel_loop3A_355 : i32 to vector<16xi32>
        %parallel_loop3A_357 = arith.shrsi %parallel_loop3A_354, %parallel_loop3A_356 : vector<16xi32>
        %parallel_loop3A_358 = arith.addi %parallel_loop3A_351, %parallel_loop3A_357 : vector<16xi32>
        %parallel_loop3A_359 = arith.addi %parallel_loop3A_358, %add3A_83 : vector<16xi32>
        tpu.vector_store_idx %arg5[%parallel_loop3A_359], %broadcast_in_dim3A_1 {add = true} : memref<32768xf32, #tpu.memory_space<vmem>>[vector<16xi32>], vector<16xf32>,
        %parallel_loop3A_360 = arith.constant 0 : i32
        %parallel_loop3A_361 = arith.index_cast %and3A_49 : i32 to index
        %parallel_loop3A_362 = arith.index_cast %parallel_loop3A_360 : i32 to index
        %parallel_loop3A_363 = arith.index_cast %parallel_loop3A_86 : i32 to index
        %parallel_loop3A_364 = arith.constant 112 : index
        %parallel_loop3A_365 = tpu.vector_load %arg4[%parallel_loop3A_361, %parallel_loop3A_362, %parallel_loop3A_363, %parallel_loop3A_364] {strides = array<i32>} : memref<2x3x28x224xi32, #tpu.memory_space<vmem>>, vector<16xi32>,
        %parallel_loop3A_366 = arith.constant 1 : i32
        %parallel_loop3A_367 = arith.index_cast %and3A_49 : i32 to index
        %parallel_loop3A_368 = arith.index_cast %parallel_loop3A_366 : i32 to index
        %parallel_loop3A_369 = arith.index_cast %parallel_loop3A_86 : i32 to index
        %parallel_loop3A_370 = arith.constant 112 : index
        %parallel_loop3A_371 = tpu.vector_load %arg4[%parallel_loop3A_367, %parallel_loop3A_368, %parallel_loop3A_369, %parallel_loop3A_370] {strides = array<i32>} : memref<2x3x28x224xi32, #tpu.memory_space<vmem>>, vector<16xi32>,
        %parallel_loop3A_372 = arith.constant 2 : i32
        %parallel_loop3A_373 = arith.index_cast %and3A_49 : i32 to index
        %parallel_loop3A_374 = arith.index_cast %parallel_loop3A_372 : i32 to index
        %parallel_loop3A_375 = arith.index_cast %parallel_loop3A_86 : i32 to index
        %parallel_loop3A_376 = arith.constant 112 : index
        %parallel_loop3A_377 = tpu.vector_load %arg4[%parallel_loop3A_373, %parallel_loop3A_374, %parallel_loop3A_375, %parallel_loop3A_376] {strides = array<i32>} : memref<2x3x28x224xi32, #tpu.memory_space<vmem>>, vector<16xi32>,
        %parallel_loop3A_378 = arith.constant 224 : i32
        %parallel_loop3A_379 = vector.broadcast %parallel_loop3A_378 : i32 to vector<16xi32>
        %parallel_loop3A_380 = arith.andi %parallel_loop3A_365, %parallel_loop3A_379 : vector<16xi32>
        %parallel_loop3A_381 = arith.constant 5 : i32
        %parallel_loop3A_382 = vector.broadcast %parallel_loop3A_381 : i32 to vector<16xi32>
        %parallel_loop3A_383 = arith.shli %parallel_loop3A_380, %parallel_loop3A_382 : vector<16xi32>
        %parallel_loop3A_384 = arith.constant 224 : i32
        %parallel_loop3A_385 = vector.broadcast %parallel_loop3A_384 : i32 to vector<16xi32>
        %parallel_loop3A_386 = arith.andi %parallel_loop3A_371, %parallel_loop3A_385 : vector<16xi32>
        %parallel_loop3A_387 = arith.constant 2 : i32
        %parallel_loop3A_388 = vector.broadcast %parallel_loop3A_387 : i32 to vector<16xi32>
        %parallel_loop3A_389 = arith.shli %parallel_loop3A_386, %parallel_loop3A_388 : vector<16xi32>
        %parallel_loop3A_390 = arith.addi %parallel_loop3A_383, %parallel_loop3A_389 : vector<16xi32>
        %parallel_loop3A_391 = arith.constant 224 : i32
        %parallel_loop3A_392 = vector.broadcast %parallel_loop3A_391 : i32 to vector<16xi32>
        %parallel_loop3A_393 = arith.andi %parallel_loop3A_377, %parallel_loop3A_392 : vector<16xi32>
        %parallel_loop3A_394 = arith.constant 1 : i32
        %parallel_loop3A_395 = vector.broadcast %parallel_loop3A_394 : i32 to vector<16xi32>
        %parallel_loop3A_396 = arith.shrsi %parallel_loop3A_393, %parallel_loop3A_395 : vector<16xi32>
        %parallel_loop3A_397 = arith.addi %parallel_loop3A_390, %parallel_loop3A_396 : vector<16xi32>
        %parallel_loop3A_398 = arith.addi %parallel_loop3A_397, %add3A_83 : vector<16xi32>
        tpu.vector_store_idx %arg5[%parallel_loop3A_398], %broadcast_in_dim3A_1 {add = true} : memref<32768xf32, #tpu.memory_space<vmem>>[vector<16xi32>], vector<16xf32>,
        %parallel_loop3A_399 = arith.constant 0 : i32
        %parallel_loop3A_400 = arith.index_cast %and3A_49 : i32 to index
        %parallel_loop3A_401 = arith.index_cast %parallel_loop3A_399 : i32 to index
        %parallel_loop3A_402 = arith.index_cast %parallel_loop3A_86 : i32 to index
        %parallel_loop3A_403 = arith.constant 128 : index
        %parallel_loop3A_404 = tpu.vector_load %arg4[%parallel_loop3A_400, %parallel_loop3A_401, %parallel_loop3A_402, %parallel_loop3A_403] {strides = array<i32>} : memref<2x3x28x224xi32, #tpu.memory_space<vmem>>, vector<16xi32>,
        %parallel_loop3A_405 = arith.constant 1 : i32
        %parallel_loop3A_406 = arith.index_cast %and3A_49 : i32 to index
        %parallel_loop3A_407 = arith.index_cast %parallel_loop3A_405 : i32 to index
        %parallel_loop3A_408 = arith.index_cast %parallel_loop3A_86 : i32 to index
        %parallel_loop3A_409 = arith.constant 128 : index
        %parallel_loop3A_410 = tpu.vector_load %arg4[%parallel_loop3A_406, %parallel_loop3A_407, %parallel_loop3A_408, %parallel_loop3A_409] {strides = array<i32>} : memref<2x3x28x224xi32, #tpu.memory_space<vmem>>, vector<16xi32>,
        %parallel_loop3A_411 = arith.constant 2 : i32
        %parallel_loop3A_412 = arith.index_cast %and3A_49 : i32 to index
        %parallel_loop3A_413 = arith.index_cast %parallel_loop3A_411 : i32 to index
        %parallel_loop3A_414 = arith.index_cast %parallel_loop3A_86 : i32 to index
        %parallel_loop3A_415 = arith.constant 128 : index
        %parallel_loop3A_416 = tpu.vector_load %arg4[%parallel_loop3A_412, %parallel_loop3A_413, %parallel_loop3A_414, %parallel_loop3A_415] {strides = array<i32>} : memref<2x3x28x224xi32, #tpu.memory_space<vmem>>, vector<16xi32>,
        %parallel_loop3A_417 = arith.constant 224 : i32
        %parallel_loop3A_418 = vector.broadcast %parallel_loop3A_417 : i32 to vector<16xi32>
        %parallel_loop3A_419 = arith.andi %parallel_loop3A_404, %parallel_loop3A_418 : vector<16xi32>
        %parallel_loop3A_420 = arith.constant 5 : i32
        %parallel_loop3A_421 = vector.broadcast %parallel_loop3A_420 : i32 to vector<16xi32>
        %parallel_loop3A_422 = arith.shli %parallel_loop3A_419, %parallel_loop3A_421 : vector<16xi32>
        %parallel_loop3A_423 = arith.constant 224 : i32
        %parallel_loop3A_424 = vector.broadcast %parallel_loop3A_423 : i32 to vector<16xi32>
        %parallel_loop3A_425 = arith.andi %parallel_loop3A_410, %parallel_loop3A_424 : vector<16xi32>
        %parallel_loop3A_426 = arith.constant 2 : i32
        %parallel_loop3A_427 = vector.broadcast %parallel_loop3A_426 : i32 to vector<16xi32>
        %parallel_loop3A_428 = arith.shli %parallel_loop3A_425, %parallel_loop3A_427 : vector<16xi32>
        %parallel_loop3A_429 = arith.addi %parallel_loop3A_422, %parallel_loop3A_428 : vector<16xi32>
        %parallel_loop3A_430 = arith.constant 224 : i32
        %parallel_loop3A_431 = vector.broadcast %parallel_loop3A_430 : i32 to vector<16xi32>
        %parallel_loop3A_432 = arith.andi %parallel_loop3A_416, %parallel_loop3A_431 : vector<16xi32>
        %parallel_loop3A_433 = arith.constant 1 : i32
        %parallel_loop3A_434 = vector.broadcast %parallel_loop3A_433 : i32 to vector<16xi32>
        %parallel_loop3A_435 = arith.shrsi %parallel_loop3A_432, %parallel_loop3A_434 : vector<16xi32>
        %parallel_loop3A_436 = arith.addi %parallel_loop3A_429, %parallel_loop3A_435 : vector<16xi32>
        %parallel_loop3A_437 = arith.addi %parallel_loop3A_436, %add3A_83 : vector<16xi32>
        tpu.vector_store_idx %arg5[%parallel_loop3A_437], %broadcast_in_dim3A_1 {add = true} : memref<32768xf32, #tpu.memory_space<vmem>>[vector<16xi32>], vector<16xf32>,
        %parallel_loop3A_438 = arith.constant 0 : i32
        %parallel_loop3A_439 = arith.index_cast %and3A_49 : i32 to index
        %parallel_loop3A_440 = arith.index_cast %parallel_loop3A_438 : i32 to index
        %parallel_loop3A_441 = arith.index_cast %parallel_loop3A_86 : i32 to index
        %parallel_loop3A_442 = arith.constant 144 : index
        %parallel_loop3A_443 = tpu.vector_load %arg4[%parallel_loop3A_439, %parallel_loop3A_440, %parallel_loop3A_441, %parallel_loop3A_442] {strides = array<i32>} : memref<2x3x28x224xi32, #tpu.memory_space<vmem>>, vector<16xi32>,
        %parallel_loop3A_444 = arith.constant 1 : i32
        %parallel_loop3A_445 = arith.index_cast %and3A_49 : i32 to index
        %parallel_loop3A_446 = arith.index_cast %parallel_loop3A_444 : i32 to index
        %parallel_loop3A_447 = arith.index_cast %parallel_loop3A_86 : i32 to index
        %parallel_loop3A_448 = arith.constant 144 : index
        %parallel_loop3A_449 = tpu.vector_load %arg4[%parallel_loop3A_445, %parallel_loop3A_446, %parallel_loop3A_447, %parallel_loop3A_448] {strides = array<i32>} : memref<2x3x28x224xi32, #tpu.memory_space<vmem>>, vector<16xi32>,
        %parallel_loop3A_450 = arith.constant 2 : i32
        %parallel_loop3A_451 = arith.index_cast %and3A_49 : i32 to index
        %parallel_loop3A_452 = arith.index_cast %parallel_loop3A_450 : i32 to index
        %parallel_loop3A_453 = arith.index_cast %parallel_loop3A_86 : i32 to index
        %parallel_loop3A_454 = arith.constant 144 : index
        %parallel_loop3A_455 = tpu.vector_load %arg4[%parallel_loop3A_451, %parallel_loop3A_452, %parallel_loop3A_453, %parallel_loop3A_454] {strides = array<i32>} : memref<2x3x28x224xi32, #tpu.memory_space<vmem>>, vector<16xi32>,
        %parallel_loop3A_456 = arith.constant 224 : i32
        %parallel_loop3A_457 = vector.broadcast %parallel_loop3A_456 : i32 to vector<16xi32>
        %parallel_loop3A_458 = arith.andi %parallel_loop3A_443, %parallel_loop3A_457 : vector<16xi32>
        %parallel_loop3A_459 = arith.constant 5 : i32
        %parallel_loop3A_460 = vector.broadcast %parallel_loop3A_459 : i32 to vector<16xi32>
        %parallel_loop3A_461 = arith.shli %parallel_loop3A_458, %parallel_loop3A_460 : vector<16xi32>
        %parallel_loop3A_462 = arith.constant 224 : i32
        %parallel_loop3A_463 = vector.broadcast %parallel_loop3A_462 : i32 to vector<16xi32>
        %parallel_loop3A_464 = arith.andi %parallel_loop3A_449, %parallel_loop3A_463 : vector<16xi32>
        %parallel_loop3A_465 = arith.constant 2 : i32
        %parallel_loop3A_466 = vector.broadcast %parallel_loop3A_465 : i32 to vector<16xi32>
        %parallel_loop3A_467 = arith.shli %parallel_loop3A_464, %parallel_loop3A_466 : vector<16xi32>
        %parallel_loop3A_468 = arith.addi %parallel_loop3A_461, %parallel_loop3A_467 : vector<16xi32>
        %parallel_loop3A_469 = arith.constant 224 : i32
        %parallel_loop3A_470 = vector.broadcast %parallel_loop3A_469 : i32 to vector<16xi32>
        %parallel_loop3A_471 = arith.andi %parallel_loop3A_455, %parallel_loop3A_470 : vector<16xi32>
        %parallel_loop3A_472 = arith.constant 1 : i32
        %parallel_loop3A_473 = vector.broadcast %parallel_loop3A_472 : i32 to vector<16xi32>
        %parallel_loop3A_474 = arith.shrsi %parallel_loop3A_471, %parallel_loop3A_473 : vector<16xi32>
        %parallel_loop3A_475 = arith.addi %parallel_loop3A_468, %parallel_loop3A_474 : vector<16xi32>
        %parallel_loop3A_476 = arith.addi %parallel_loop3A_475, %add3A_83 : vector<16xi32>
        tpu.vector_store_idx %arg5[%parallel_loop3A_476], %broadcast_in_dim3A_1 {add = true} : memref<32768xf32, #tpu.memory_space<vmem>>[vector<16xi32>], vector<16xf32>,
        %parallel_loop3A_477 = arith.constant 0 : i32
        %parallel_loop3A_478 = arith.index_cast %and3A_49 : i32 to index
        %parallel_loop3A_479 = arith.index_cast %parallel_loop3A_477 : i32 to index
        %parallel_loop3A_480 = arith.index_cast %parallel_loop3A_86 : i32 to index
        %parallel_loop3A_481 = arith.constant 160 : index
        %parallel_loop3A_482 = tpu.vector_load %arg4[%parallel_loop3A_478, %parallel_loop3A_479, %parallel_loop3A_480, %parallel_loop3A_481] {strides = array<i32>} : memref<2x3x28x224xi32, #tpu.memory_space<vmem>>, vector<16xi32>,
        %parallel_loop3A_483 = arith.constant 1 : i32
        %parallel_loop3A_484 = arith.index_cast %and3A_49 : i32 to index
        %parallel_loop3A_485 = arith.index_cast %parallel_loop3A_483 : i32 to index
        %parallel_loop3A_486 = arith.index_cast %parallel_loop3A_86 : i32 to index
        %parallel_loop3A_487 = arith.constant 160 : index
        %parallel_loop3A_488 = tpu.vector_load %arg4[%parallel_loop3A_484, %parallel_loop3A_485, %parallel_loop3A_486, %parallel_loop3A_487] {strides = array<i32>} : memref<2x3x28x224xi32, #tpu.memory_space<vmem>>, vector<16xi32>,
        %parallel_loop3A_489 = arith.constant 2 : i32
        %parallel_loop3A_490 = arith.index_cast %and3A_49 : i32 to index
        %parallel_loop3A_491 = arith.index_cast %parallel_loop3A_489 : i32 to index
        %parallel_loop3A_492 = arith.index_cast %parallel_loop3A_86 : i32 to index
        %parallel_loop3A_493 = arith.constant 160 : index
        %parallel_loop3A_494 = tpu.vector_load %arg4[%parallel_loop3A_490, %parallel_loop3A_491, %parallel_loop3A_492, %parallel_loop3A_493] {strides = array<i32>} : memref<2x3x28x224xi32, #tpu.memory_space<vmem>>, vector<16xi32>,
        %parallel_loop3A_495 = arith.constant 224 : i32
        %parallel_loop3A_496 = vector.broadcast %parallel_loop3A_495 : i32 to vector<16xi32>
        %parallel_loop3A_497 = arith.andi %parallel_loop3A_482, %parallel_loop3A_496 : vector<16xi32>
        %parallel_loop3A_498 = arith.constant 5 : i32
        %parallel_loop3A_499 = vector.broadcast %parallel_loop3A_498 : i32 to vector<16xi32>
        %parallel_loop3A_500 = arith.shli %parallel_loop3A_497, %parallel_loop3A_499 : vector<16xi32>
        %parallel_loop3A_501 = arith.constant 224 : i32
        %parallel_loop3A_502 = vector.broadcast %parallel_loop3A_501 : i32 to vector<16xi32>
        %parallel_loop3A_503 = arith.andi %parallel_loop3A_488, %parallel_loop3A_502 : vector<16xi32>
        %parallel_loop3A_504 = arith.constant 2 : i32
        %parallel_loop3A_505 = vector.broadcast %parallel_loop3A_504 : i32 to vector<16xi32>
        %parallel_loop3A_506 = arith.shli %parallel_loop3A_503, %parallel_loop3A_505 : vector<16xi32>
        %parallel_loop3A_507 = arith.addi %parallel_loop3A_500, %parallel_loop3A_506 : vector<16xi32>
        %parallel_loop3A_508 = arith.constant 224 : i32
        %parallel_loop3A_509 = vector.broadcast %parallel_loop3A_508 : i32 to vector<16xi32>
        %parallel_loop3A_510 = arith.andi %parallel_loop3A_494, %parallel_loop3A_509 : vector<16xi32>
        %parallel_loop3A_511 = arith.constant 1 : i32
        %parallel_loop3A_512 = vector.broadcast %parallel_loop3A_511 : i32 to vector<16xi32>
        %parallel_loop3A_513 = arith.shrsi %parallel_loop3A_510, %parallel_loop3A_512 : vector<16xi32>
        %parallel_loop3A_514 = arith.addi %parallel_loop3A_507, %parallel_loop3A_513 : vector<16xi32>
        %parallel_loop3A_515 = arith.addi %parallel_loop3A_514, %add3A_83 : vector<16xi32>
        tpu.vector_store_idx %arg5[%parallel_loop3A_515], %broadcast_in_dim3A_1 {add = true} : memref<32768xf32, #tpu.memory_space<vmem>>[vector<16xi32>], vector<16xf32>,
        %parallel_loop3A_516 = arith.constant 0 : i32
        %parallel_loop3A_517 = arith.index_cast %and3A_49 : i32 to index
        %parallel_loop3A_518 = arith.index_cast %parallel_loop3A_516 : i32 to index
        %parallel_loop3A_519 = arith.index_cast %parallel_loop3A_86 : i32 to index
        %parallel_loop3A_520 = arith.constant 176 : index
        %parallel_loop3A_521 = tpu.vector_load %arg4[%parallel_loop3A_517, %parallel_loop3A_518, %parallel_loop3A_519, %parallel_loop3A_520] {strides = array<i32>} : memref<2x3x28x224xi32, #tpu.memory_space<vmem>>, vector<16xi32>,
        %parallel_loop3A_522 = arith.constant 1 : i32
        %parallel_loop3A_523 = arith.index_cast %and3A_49 : i32 to index
        %parallel_loop3A_524 = arith.index_cast %parallel_loop3A_522 : i32 to index
        %parallel_loop3A_525 = arith.index_cast %parallel_loop3A_86 : i32 to index
        %parallel_loop3A_526 = arith.constant 176 : index
        %parallel_loop3A_527 = tpu.vector_load %arg4[%parallel_loop3A_523, %parallel_loop3A_524, %parallel_loop3A_525, %parallel_loop3A_526] {strides = array<i32>} : memref<2x3x28x224xi32, #tpu.memory_space<vmem>>, vector<16xi32>,
        %parallel_loop3A_528 = arith.constant 2 : i32
        %parallel_loop3A_529 = arith.index_cast %and3A_49 : i32 to index
        %parallel_loop3A_530 = arith.index_cast %parallel_loop3A_528 : i32 to index
        %parallel_loop3A_531 = arith.index_cast %parallel_loop3A_86 : i32 to index
        %parallel_loop3A_532 = arith.constant 176 : index
        %parallel_loop3A_533 = tpu.vector_load %arg4[%parallel_loop3A_529, %parallel_loop3A_530, %parallel_loop3A_531, %parallel_loop3A_532] {strides = array<i32>} : memref<2x3x28x224xi32, #tpu.memory_space<vmem>>, vector<16xi32>,
        %parallel_loop3A_534 = arith.constant 224 : i32
        %parallel_loop3A_535 = vector.broadcast %parallel_loop3A_534 : i32 to vector<16xi32>
        %parallel_loop3A_536 = arith.andi %parallel_loop3A_521, %parallel_loop3A_535 : vector<16xi32>
        %parallel_loop3A_537 = arith.constant 5 : i32
        %parallel_loop3A_538 = vector.broadcast %parallel_loop3A_537 : i32 to vector<16xi32>
        %parallel_loop3A_539 = arith.shli %parallel_loop3A_536, %parallel_loop3A_538 : vector<16xi32>
        %parallel_loop3A_540 = arith.constant 224 : i32
        %parallel_loop3A_541 = vector.broadcast %parallel_loop3A_540 : i32 to vector<16xi32>
        %parallel_loop3A_542 = arith.andi %parallel_loop3A_527, %parallel_loop3A_541 : vector<16xi32>
        %parallel_loop3A_543 = arith.constant 2 : i32
        %parallel_loop3A_544 = vector.broadcast %parallel_loop3A_543 : i32 to vector<16xi32>
        %parallel_loop3A_545 = arith.shli %parallel_loop3A_542, %parallel_loop3A_544 : vector<16xi32>
        %parallel_loop3A_546 = arith.addi %parallel_loop3A_539, %parallel_loop3A_545 : vector<16xi32>
        %parallel_loop3A_547 = arith.constant 224 : i32
        %parallel_loop3A_548 = vector.broadcast %parallel_loop3A_547 : i32 to vector<16xi32>
        %parallel_loop3A_549 = arith.andi %parallel_loop3A_533, %parallel_loop3A_548 : vector<16xi32>
        %parallel_loop3A_550 = arith.constant 1 : i32
        %parallel_loop3A_551 = vector.broadcast %parallel_loop3A_550 : i32 to vector<16xi32>
        %parallel_loop3A_552 = arith.shrsi %parallel_loop3A_549, %parallel_loop3A_551 : vector<16xi32>
        %parallel_loop3A_553 = arith.addi %parallel_loop3A_546, %parallel_loop3A_552 : vector<16xi32>
        %parallel_loop3A_554 = arith.addi %parallel_loop3A_553, %add3A_83 : vector<16xi32>
        tpu.vector_store_idx %arg5[%parallel_loop3A_554], %broadcast_in_dim3A_1 {add = true} : memref<32768xf32, #tpu.memory_space<vmem>>[vector<16xi32>], vector<16xf32>,
        %parallel_loop3A_555 = arith.constant 0 : i32
        %parallel_loop3A_556 = arith.index_cast %and3A_49 : i32 to index
        %parallel_loop3A_557 = arith.index_cast %parallel_loop3A_555 : i32 to index
        %parallel_loop3A_558 = arith.index_cast %parallel_loop3A_86 : i32 to index
        %parallel_loop3A_559 = arith.constant 192 : index
        %parallel_loop3A_560 = tpu.vector_load %arg4[%parallel_loop3A_556, %parallel_loop3A_557, %parallel_loop3A_558, %parallel_loop3A_559] {strides = array<i32>} : memref<2x3x28x224xi32, #tpu.memory_space<vmem>>, vector<16xi32>,
        %parallel_loop3A_561 = arith.constant 1 : i32
        %parallel_loop3A_562 = arith.index_cast %and3A_49 : i32 to index
        %parallel_loop3A_563 = arith.index_cast %parallel_loop3A_561 : i32 to index
        %parallel_loop3A_564 = arith.index_cast %parallel_loop3A_86 : i32 to index
        %parallel_loop3A_565 = arith.constant 192 : index
        %parallel_loop3A_566 = tpu.vector_load %arg4[%parallel_loop3A_562, %parallel_loop3A_563, %parallel_loop3A_564, %parallel_loop3A_565] {strides = array<i32>} : memref<2x3x28x224xi32, #tpu.memory_space<vmem>>, vector<16xi32>,
        %parallel_loop3A_567 = arith.constant 2 : i32
        %parallel_loop3A_568 = arith.index_cast %and3A_49 : i32 to index
        %parallel_loop3A_569 = arith.index_cast %parallel_loop3A_567 : i32 to index
        %parallel_loop3A_570 = arith.index_cast %parallel_loop3A_86 : i32 to index
        %parallel_loop3A_571 = arith.constant 192 : index
        %parallel_loop3A_572 = tpu.vector_load %arg4[%parallel_loop3A_568, %parallel_loop3A_569, %parallel_loop3A_570, %parallel_loop3A_571] {strides = array<i32>} : memref<2x3x28x224xi32, #tpu.memory_space<vmem>>, vector<16xi32>,
        %parallel_loop3A_573 = arith.constant 224 : i32
        %parallel_loop3A_574 = vector.broadcast %parallel_loop3A_573 : i32 to vector<16xi32>
        %parallel_loop3A_575 = arith.andi %parallel_loop3A_560, %parallel_loop3A_574 : vector<16xi32>
        %parallel_loop3A_576 = arith.constant 5 : i32
        %parallel_loop3A_577 = vector.broadcast %parallel_loop3A_576 : i32 to vector<16xi32>
        %parallel_loop3A_578 = arith.shli %parallel_loop3A_575, %parallel_loop3A_577 : vector<16xi32>
        %parallel_loop3A_579 = arith.constant 224 : i32
        %parallel_loop3A_580 = vector.broadcast %parallel_loop3A_579 : i32 to vector<16xi32>
        %parallel_loop3A_581 = arith.andi %parallel_loop3A_566, %parallel_loop3A_580 : vector<16xi32>
        %parallel_loop3A_582 = arith.constant 2 : i32
        %parallel_loop3A_583 = vector.broadcast %parallel_loop3A_582 : i32 to vector<16xi32>
        %parallel_loop3A_584 = arith.shli %parallel_loop3A_581, %parallel_loop3A_583 : vector<16xi32>
        %parallel_loop3A_585 = arith.addi %parallel_loop3A_578, %parallel_loop3A_584 : vector<16xi32>
        %parallel_loop3A_586 = arith.constant 224 : i32
        %parallel_loop3A_587 = vector.broadcast %parallel_loop3A_586 : i32 to vector<16xi32>
        %parallel_loop3A_588 = arith.andi %parallel_loop3A_572, %parallel_loop3A_587 : vector<16xi32>
        %parallel_loop3A_589 = arith.constant 1 : i32
        %parallel_loop3A_590 = vector.broadcast %parallel_loop3A_589 : i32 to vector<16xi32>
        %parallel_loop3A_591 = arith.shrsi %parallel_loop3A_588, %parallel_loop3A_590 : vector<16xi32>
        %parallel_loop3A_592 = arith.addi %parallel_loop3A_585, %parallel_loop3A_591 : vector<16xi32>
        %parallel_loop3A_593 = arith.addi %parallel_loop3A_592, %add3A_83 : vector<16xi32>
        tpu.vector_store_idx %arg5[%parallel_loop3A_593], %broadcast_in_dim3A_1 {add = true} : memref<32768xf32, #tpu.memory_space<vmem>>[vector<16xi32>], vector<16xf32>,
        %parallel_loop3A_594 = arith.constant 0 : i32
        %parallel_loop3A_595 = arith.index_cast %and3A_49 : i32 to index
        %parallel_loop3A_596 = arith.index_cast %parallel_loop3A_594 : i32 to index
        %parallel_loop3A_597 = arith.index_cast %parallel_loop3A_86 : i32 to index
        %parallel_loop3A_598 = arith.constant 208 : index
        %parallel_loop3A_599 = tpu.vector_load %arg4[%parallel_loop3A_595, %parallel_loop3A_596, %parallel_loop3A_597, %parallel_loop3A_598] {strides = array<i32>} : memref<2x3x28x224xi32, #tpu.memory_space<vmem>>, vector<16xi32>,
        %parallel_loop3A_600 = arith.constant 1 : i32
        %parallel_loop3A_601 = arith.index_cast %and3A_49 : i32 to index
        %parallel_loop3A_602 = arith.index_cast %parallel_loop3A_600 : i32 to index
        %parallel_loop3A_603 = arith.index_cast %parallel_loop3A_86 : i32 to index
        %parallel_loop3A_604 = arith.constant 208 : index
        %parallel_loop3A_605 = tpu.vector_load %arg4[%parallel_loop3A_601, %parallel_loop3A_602, %parallel_loop3A_603, %parallel_loop3A_604] {strides = array<i32>} : memref<2x3x28x224xi32, #tpu.memory_space<vmem>>, vector<16xi32>,
        %parallel_loop3A_606 = arith.constant 2 : i32
        %parallel_loop3A_607 = arith.index_cast %and3A_49 : i32 to index
        %parallel_loop3A_608 = arith.index_cast %parallel_loop3A_606 : i32 to index
        %parallel_loop3A_609 = arith.index_cast %parallel_loop3A_86 : i32 to index
        %parallel_loop3A_610 = arith.constant 208 : index
        %parallel_loop3A_611 = tpu.vector_load %arg4[%parallel_loop3A_607, %parallel_loop3A_608, %parallel_loop3A_609, %parallel_loop3A_610] {strides = array<i32>} : memref<2x3x28x224xi32, #tpu.memory_space<vmem>>, vector<16xi32>,
        %parallel_loop3A_612 = arith.constant 224 : i32
        %parallel_loop3A_613 = vector.broadcast %parallel_loop3A_612 : i32 to vector<16xi32>
        %parallel_loop3A_614 = arith.andi %parallel_loop3A_599, %parallel_loop3A_613 : vector<16xi32>
        %parallel_loop3A_615 = arith.constant 5 : i32
        %parallel_loop3A_616 = vector.broadcast %parallel_loop3A_615 : i32 to vector<16xi32>
        %parallel_loop3A_617 = arith.shli %parallel_loop3A_614, %parallel_loop3A_616 : vector<16xi32>
        %parallel_loop3A_618 = arith.constant 224 : i32
        %parallel_loop3A_619 = vector.broadcast %parallel_loop3A_618 : i32 to vector<16xi32>
        %parallel_loop3A_620 = arith.andi %parallel_loop3A_605, %parallel_loop3A_619 : vector<16xi32>
        %parallel_loop3A_621 = arith.constant 2 : i32
        %parallel_loop3A_622 = vector.broadcast %parallel_loop3A_621 : i32 to vector<16xi32>
        %parallel_loop3A_623 = arith.shli %parallel_loop3A_620, %parallel_loop3A_622 : vector<16xi32>
        %parallel_loop3A_624 = arith.addi %parallel_loop3A_617, %parallel_loop3A_623 : vector<16xi32>
        %parallel_loop3A_625 = arith.constant 224 : i32
        %parallel_loop3A_626 = vector.broadcast %parallel_loop3A_625 : i32 to vector<16xi32>
        %parallel_loop3A_627 = arith.andi %parallel_loop3A_611, %parallel_loop3A_626 : vector<16xi32>
        %parallel_loop3A_628 = arith.constant 1 : i32
        %parallel_loop3A_629 = vector.broadcast %parallel_loop3A_628 : i32 to vector<16xi32>
        %parallel_loop3A_630 = arith.shrsi %parallel_loop3A_627, %parallel_loop3A_629 : vector<16xi32>
        %parallel_loop3A_631 = arith.addi %parallel_loop3A_624, %parallel_loop3A_630 : vector<16xi32>
        %parallel_loop3A_632 = arith.addi %parallel_loop3A_631, %add3A_83 : vector<16xi32>
        tpu.vector_store_idx %arg5[%parallel_loop3A_632], %broadcast_in_dim3A_1 {add = true} : memref<32768xf32, #tpu.memory_space<vmem>>[vector<16xi32>], vector<16xf32>,
      } {sc.loop_unroll_factor = 1 : i64, sc.parallel_access}
    }
    %scan3A_41 = arith.constant 32 : i32
    %scan3A_42 = arith.constant 0 : i32
    %scan3A_43 = arith.constant 0 : i32
    %scan3A_44 = arith.constant 128 : i32
    %scan3A_45 = arith.addi %scan3A_43, %scan3A_44 : i32
    %scan3A_46 = arith.constant 1 : i32
    scf.for %scan3A_48 = %scan3A_43 to %scan3A_45 step %scan3A_46  : i32 {
      %mul3A_49 = arith.constant 16 : i32
      %mul3A_50 = arith.muli %scan3A_48, %mul3A_49 : i32
      %add3A_51 = arith.constant 0 : i32
      %add3A_52 = arith.addi %mul3A_50, %add3A_51 : i32
      %mul3A_53 = arith.constant 16 : i32
      %mul3A_54 = arith.muli %add3A_52, %mul3A_53 : i32
      %get3A = arith.index_cast %mul3A_54 : i32 to index
      %get3A_55 = tpu.vector_load %arg5[%get3A] {strides = array<i32>} : memref<32768xf32, #tpu.memory_space<vmem>>, vector<16xf32>,
      %reduce_sum3A = arith.constant true
      %reduce_sum3A_56 = vector.broadcast %reduce_sum3A : i1 to vector<16xi1>
      %reduce_sum3A_57 = tpu.scan <sum>, %get3A_55 masked %reduce_sum3A_56 : vector<16xf32>, vector<16xi1> -> vector<16xf32>
      %reduce_sum3A_58 = vector.extract %reduce_sum3A_57[15] : f32 from vector<16xf32>
      %eq3A = arith.constant 0 : i32
      %eq3A_59 = vector.broadcast %eq3A : i32 to vector<16xi32>
      %eq3A_60 = arith.cmpi eq, %iota3A, %eq3A_59 : vector<16xi32>
      %broadcast_in_dim3A_61 = vector.broadcast %reduce_sum3A_58 : f32 to vector<16xf32>
      %select_n3A = arith.select %eq3A_60, %broadcast_in_dim3A_61, %broadcast_in_dim3A_3 : vector<16xi1>, vector<16xf32>
      %mul3A_62 = arith.constant 16 : i32
      %mul3A_63 = arith.muli %scan3A_48, %mul3A_62 : i32
      %add3A_64 = arith.constant 1 : i32
      %add3A_65 = arith.addi %mul3A_63, %add3A_64 : i32
      %mul3A_66 = arith.constant 16 : i32
      %mul3A_67 = arith.muli %add3A_65, %mul3A_66 : i32
      %get3A_68 = arith.index_cast %mul3A_67 : i32 to index
      %get3A_69 = tpu.vector_load %arg5[%get3A_68] {strides = array<i32>} : memref<32768xf32, #tpu.memory_space<vmem>>, vector<16xf32>,
      %reduce_sum3A_70 = arith.constant true
      %reduce_sum3A_71 = vector.broadcast %reduce_sum3A_70 : i1 to vector<16xi1>
      %reduce_sum3A_72 = tpu.scan <sum>, %get3A_69 masked %reduce_sum3A_71 : vector<16xf32>, vector<16xi1> -> vector<16xf32>
      %reduce_sum3A_73 = vector.extract %reduce_sum3A_72[15] : f32 from vector<16xf32>
      %eq3A_74 = arith.constant 1 : i32
      %eq3A_75 = vector.broadcast %eq3A_74 : i32 to vector<16xi32>
      %eq3A_76 = arith.cmpi eq, %iota3A, %eq3A_75 : vector<16xi32>
      %broadcast_in_dim3A_77 = vector.broadcast %reduce_sum3A_73 : f32 to vector<16xf32>
      %select_n3A_78 = arith.select %eq3A_76, %broadcast_in_dim3A_77, %select_n3A : vector<16xi1>, vector<16xf32>
      %mul3A_79 = arith.constant 16 : i32
      %mul3A_80 = arith.muli %scan3A_48, %mul3A_79 : i32
      %add3A_81 = arith.constant 2 : i32
      %add3A_82 = arith.addi %mul3A_80, %add3A_81 : i32
      %mul3A_83 = arith.constant 16 : i32
      %mul3A_84 = arith.muli %add3A_82, %mul3A_83 : i32
      %get3A_85 = arith.index_cast %mul3A_84 : i32 to index
      %get3A_86 = tpu.vector_load %arg5[%get3A_85] {strides = array<i32>} : memref<32768xf32, #tpu.memory_space<vmem>>, vector<16xf32>,
      %reduce_sum3A_87 = arith.constant true
      %reduce_sum3A_88 = vector.broadcast %reduce_sum3A_87 : i1 to vector<16xi1>
      %reduce_sum3A_89 = tpu.scan <sum>, %get3A_86 masked %reduce_sum3A_88 : vector<16xf32>, vector<16xi1> -> vector<16xf32>
      %reduce_sum3A_90 = vector.extract %reduce_sum3A_89[15] : f32 from vector<16xf32>
      %eq3A_91 = arith.constant 2 : i32
      %eq3A_92 = vector.broadcast %eq3A_91 : i32 to vector<16xi32>
      %eq3A_93 = arith.cmpi eq, %iota3A, %eq3A_92 : vector<16xi32>
      %broadcast_in_dim3A_94 = vector.broadcast %reduce_sum3A_90 : f32 to vector<16xf32>
      %select_n3A_95 = arith.select %eq3A_93, %broadcast_in_dim3A_94, %select_n3A_78 : vector<16xi1>, vector<16xf32>
      %mul3A_96 = arith.constant 16 : i32
      %mul3A_97 = arith.muli %scan3A_48, %mul3A_96 : i32
      %add3A_98 = arith.constant 3 : i32
      %add3A_99 = arith.addi %mul3A_97, %add3A_98 : i32
      %mul3A_100 = arith.constant 16 : i32
      %mul3A_101 = arith.muli %add3A_99, %mul3A_100 : i32
      %get3A_102 = arith.index_cast %mul3A_101 : i32 to index
      %get3A_103 = tpu.vector_load %arg5[%get3A_102] {strides = array<i32>} : memref<32768xf32, #tpu.memory_space<vmem>>, vector<16xf32>,
      %reduce_sum3A_104 = arith.constant true
      %reduce_sum3A_105 = vector.broadcast %reduce_sum3A_104 : i1 to vector<16xi1>
      %reduce_sum3A_106 = tpu.scan <sum>, %get3A_103 masked %reduce_sum3A_105 : vector<16xf32>, vector<16xi1> -> vector<16xf32>
      %reduce_sum3A_107 = vector.extract %reduce_sum3A_106[15] : f32 from vector<16xf32>
      %eq3A_108 = arith.constant 3 : i32
      %eq3A_109 = vector.broadcast %eq3A_108 : i32 to vector<16xi32>
      %eq3A_110 = arith.cmpi eq, %iota3A, %eq3A_109 : vector<16xi32>
      %broadcast_in_dim3A_111 = vector.broadcast %reduce_sum3A_107 : f32 to vector<16xf32>
      %select_n3A_112 = arith.select %eq3A_110, %broadcast_in_dim3A_111, %select_n3A_95 : vector<16xi1>, vector<16xf32>
      %mul3A_113 = arith.constant 16 : i32
      %mul3A_114 = arith.muli %scan3A_48, %mul3A_113 : i32
      %add3A_115 = arith.constant 4 : i32
      %add3A_116 = arith.addi %mul3A_114, %add3A_115 : i32
      %mul3A_117 = arith.constant 16 : i32
      %mul3A_118 = arith.muli %add3A_116, %mul3A_117 : i32
      %get3A_119 = arith.index_cast %mul3A_118 : i32 to index
      %get3A_120 = tpu.vector_load %arg5[%get3A_119] {strides = array<i32>} : memref<32768xf32, #tpu.memory_space<vmem>>, vector<16xf32>,
      %reduce_sum3A_121 = arith.constant true
      %reduce_sum3A_122 = vector.broadcast %reduce_sum3A_121 : i1 to vector<16xi1>
      %reduce_sum3A_123 = tpu.scan <sum>, %get3A_120 masked %reduce_sum3A_122 : vector<16xf32>, vector<16xi1> -> vector<16xf32>
      %reduce_sum3A_124 = vector.extract %reduce_sum3A_123[15] : f32 from vector<16xf32>
      %eq3A_125 = arith.constant 4 : i32
      %eq3A_126 = vector.broadcast %eq3A_125 : i32 to vector<16xi32>
      %eq3A_127 = arith.cmpi eq, %iota3A, %eq3A_126 : vector<16xi32>
      %broadcast_in_dim3A_128 = vector.broadcast %reduce_sum3A_124 : f32 to vector<16xf32>
      %select_n3A_129 = arith.select %eq3A_127, %broadcast_in_dim3A_128, %select_n3A_112 : vector<16xi1>, vector<16xf32>
      %mul3A_130 = arith.constant 16 : i32
      %mul3A_131 = arith.muli %scan3A_48, %mul3A_130 : i32
      %add3A_132 = arith.constant 5 : i32
      %add3A_133 = arith.addi %mul3A_131, %add3A_132 : i32
      %mul3A_134 = arith.constant 16 : i32
      %mul3A_135 = arith.muli %add3A_133, %mul3A_134 : i32
      %get3A_136 = arith.index_cast %mul3A_135 : i32 to index
      %get3A_137 = tpu.vector_load %arg5[%get3A_136] {strides = array<i32>} : memref<32768xf32, #tpu.memory_space<vmem>>, vector<16xf32>,
      %reduce_sum3A_138 = arith.constant true
      %reduce_sum3A_139 = vector.broadcast %reduce_sum3A_138 : i1 to vector<16xi1>
      %reduce_sum3A_140 = tpu.scan <sum>, %get3A_137 masked %reduce_sum3A_139 : vector<16xf32>, vector<16xi1> -> vector<16xf32>
      %reduce_sum3A_141 = vector.extract %reduce_sum3A_140[15] : f32 from vector<16xf32>
      %eq3A_142 = arith.constant 5 : i32
      %eq3A_143 = vector.broadcast %eq3A_142 : i32 to vector<16xi32>
      %eq3A_144 = arith.cmpi eq, %iota3A, %eq3A_143 : vector<16xi32>
      %broadcast_in_dim3A_145 = vector.broadcast %reduce_sum3A_141 : f32 to vector<16xf32>
      %select_n3A_146 = arith.select %eq3A_144, %broadcast_in_dim3A_145, %select_n3A_129 : vector<16xi1>, vector<16xf32>
      %mul3A_147 = arith.constant 16 : i32
      %mul3A_148 = arith.muli %scan3A_48, %mul3A_147 : i32
      %add3A_149 = arith.constant 6 : i32
      %add3A_150 = arith.addi %mul3A_148, %add3A_149 : i32
      %mul3A_151 = arith.constant 16 : i32
      %mul3A_152 = arith.muli %add3A_150, %mul3A_151 : i32
      %get3A_153 = arith.index_cast %mul3A_152 : i32 to index
      %get3A_154 = tpu.vector_load %arg5[%get3A_153] {strides = array<i32>} : memref<32768xf32, #tpu.memory_space<vmem>>, vector<16xf32>,
      %reduce_sum3A_155 = arith.constant true
      %reduce_sum3A_156 = vector.broadcast %reduce_sum3A_155 : i1 to vector<16xi1>
      %reduce_sum3A_157 = tpu.scan <sum>, %get3A_154 masked %reduce_sum3A_156 : vector<16xf32>, vector<16xi1> -> vector<16xf32>
      %reduce_sum3A_158 = vector.extract %reduce_sum3A_157[15] : f32 from vector<16xf32>
      %eq3A_159 = arith.constant 6 : i32
      %eq3A_160 = vector.broadcast %eq3A_159 : i32 to vector<16xi32>
      %eq3A_161 = arith.cmpi eq, %iota3A, %eq3A_160 : vector<16xi32>
      %broadcast_in_dim3A_162 = vector.broadcast %reduce_sum3A_158 : f32 to vector<16xf32>
      %select_n3A_163 = arith.select %eq3A_161, %broadcast_in_dim3A_162, %select_n3A_146 : vector<16xi1>, vector<16xf32>
      %mul3A_164 = arith.constant 16 : i32
      %mul3A_165 = arith.muli %scan3A_48, %mul3A_164 : i32
      %add3A_166 = arith.constant 7 : i32
      %add3A_167 = arith.addi %mul3A_165, %add3A_166 : i32
      %mul3A_168 = arith.constant 16 : i32
      %mul3A_169 = arith.muli %add3A_167, %mul3A_168 : i32
      %get3A_170 = arith.index_cast %mul3A_169 : i32 to index
      %get3A_171 = tpu.vector_load %arg5[%get3A_170] {strides = array<i32>} : memref<32768xf32, #tpu.memory_space<vmem>>, vector<16xf32>,
      %reduce_sum3A_172 = arith.constant true
      %reduce_sum3A_173 = vector.broadcast %reduce_sum3A_172 : i1 to vector<16xi1>
      %reduce_sum3A_174 = tpu.scan <sum>, %get3A_171 masked %reduce_sum3A_173 : vector<16xf32>, vector<16xi1> -> vector<16xf32>
      %reduce_sum3A_175 = vector.extract %reduce_sum3A_174[15] : f32 from vector<16xf32>
      %eq3A_176 = arith.constant 7 : i32
      %eq3A_177 = vector.broadcast %eq3A_176 : i32 to vector<16xi32>
      %eq3A_178 = arith.cmpi eq, %iota3A, %eq3A_177 : vector<16xi32>
      %broadcast_in_dim3A_179 = vector.broadcast %reduce_sum3A_175 : f32 to vector<16xf32>
      %select_n3A_180 = arith.select %eq3A_178, %broadcast_in_dim3A_179, %select_n3A_163 : vector<16xi1>, vector<16xf32>
      %mul3A_181 = arith.constant 16 : i32
      %mul3A_182 = arith.muli %scan3A_48, %mul3A_181 : i32
      %add3A_183 = arith.constant 8 : i32
      %add3A_184 = arith.addi %mul3A_182, %add3A_183 : i32
      %mul3A_185 = arith.constant 16 : i32
      %mul3A_186 = arith.muli %add3A_184, %mul3A_185 : i32
      %get3A_187 = arith.index_cast %mul3A_186 : i32 to index
      %get3A_188 = tpu.vector_load %arg5[%get3A_187] {strides = array<i32>} : memref<32768xf32, #tpu.memory_space<vmem>>, vector<16xf32>,
      %reduce_sum3A_189 = arith.constant true
      %reduce_sum3A_190 = vector.broadcast %reduce_sum3A_189 : i1 to vector<16xi1>
      %reduce_sum3A_191 = tpu.scan <sum>, %get3A_188 masked %reduce_sum3A_190 : vector<16xf32>, vector<16xi1> -> vector<16xf32>
      %reduce_sum3A_192 = vector.extract %reduce_sum3A_191[15] : f32 from vector<16xf32>
      %eq3A_193 = arith.constant 8 : i32
      %eq3A_194 = vector.broadcast %eq3A_193 : i32 to vector<16xi32>
      %eq3A_195 = arith.cmpi eq, %iota3A, %eq3A_194 : vector<16xi32>
      %broadcast_in_dim3A_196 = vector.broadcast %reduce_sum3A_192 : f32 to vector<16xf32>
      %select_n3A_197 = arith.select %eq3A_195, %broadcast_in_dim3A_196, %select_n3A_180 : vector<16xi1>, vector<16xf32>
      %mul3A_198 = arith.constant 16 : i32
      %mul3A_199 = arith.muli %scan3A_48, %mul3A_198 : i32
      %add3A_200 = arith.constant 9 : i32
      %add3A_201 = arith.addi %mul3A_199, %add3A_200 : i32
      %mul3A_202 = arith.constant 16 : i32
      %mul3A_203 = arith.muli %add3A_201, %mul3A_202 : i32
      %get3A_204 = arith.index_cast %mul3A_203 : i32 to index
      %get3A_205 = tpu.vector_load %arg5[%get3A_204] {strides = array<i32>} : memref<32768xf32, #tpu.memory_space<vmem>>, vector<16xf32>,
      %reduce_sum3A_206 = arith.constant true
      %reduce_sum3A_207 = vector.broadcast %reduce_sum3A_206 : i1 to vector<16xi1>
      %reduce_sum3A_208 = tpu.scan <sum>, %get3A_205 masked %reduce_sum3A_207 : vector<16xf32>, vector<16xi1> -> vector<16xf32>
      %reduce_sum3A_209 = vector.extract %reduce_sum3A_208[15] : f32 from vector<16xf32>
      %eq3A_210 = arith.constant 9 : i32
      %eq3A_211 = vector.broadcast %eq3A_210 : i32 to vector<16xi32>
      %eq3A_212 = arith.cmpi eq, %iota3A, %eq3A_211 : vector<16xi32>
      %broadcast_in_dim3A_213 = vector.broadcast %reduce_sum3A_209 : f32 to vector<16xf32>
      %select_n3A_214 = arith.select %eq3A_212, %broadcast_in_dim3A_213, %select_n3A_197 : vector<16xi1>, vector<16xf32>
      %mul3A_215 = arith.constant 16 : i32
      %mul3A_216 = arith.muli %scan3A_48, %mul3A_215 : i32
      %add3A_217 = arith.constant 10 : i32
      %add3A_218 = arith.addi %mul3A_216, %add3A_217 : i32
      %mul3A_219 = arith.constant 16 : i32
      %mul3A_220 = arith.muli %add3A_218, %mul3A_219 : i32
      %get3A_221 = arith.index_cast %mul3A_220 : i32 to index
      %get3A_222 = tpu.vector_load %arg5[%get3A_221] {strides = array<i32>} : memref<32768xf32, #tpu.memory_space<vmem>>, vector<16xf32>,
      %reduce_sum3A_223 = arith.constant true
      %reduce_sum3A_224 = vector.broadcast %reduce_sum3A_223 : i1 to vector<16xi1>
      %reduce_sum3A_225 = tpu.scan <sum>, %get3A_222 masked %reduce_sum3A_224 : vector<16xf32>, vector<16xi1> -> vector<16xf32>
      %reduce_sum3A_226 = vector.extract %reduce_sum3A_225[15] : f32 from vector<16xf32>
      %eq3A_227 = arith.constant 10 : i32
      %eq3A_228 = vector.broadcast %eq3A_227 : i32 to vector<16xi32>
      %eq3A_229 = arith.cmpi eq, %iota3A, %eq3A_228 : vector<16xi32>
      %broadcast_in_dim3A_230 = vector.broadcast %reduce_sum3A_226 : f32 to vector<16xf32>
      %select_n3A_231 = arith.select %eq3A_229, %broadcast_in_dim3A_230, %select_n3A_214 : vector<16xi1>, vector<16xf32>
      %mul3A_232 = arith.constant 16 : i32
      %mul3A_233 = arith.muli %scan3A_48, %mul3A_232 : i32
      %add3A_234 = arith.constant 11 : i32
      %add3A_235 = arith.addi %mul3A_233, %add3A_234 : i32
      %mul3A_236 = arith.constant 16 : i32
      %mul3A_237 = arith.muli %add3A_235, %mul3A_236 : i32
      %get3A_238 = arith.index_cast %mul3A_237 : i32 to index
      %get3A_239 = tpu.vector_load %arg5[%get3A_238] {strides = array<i32>} : memref<32768xf32, #tpu.memory_space<vmem>>, vector<16xf32>,
      %reduce_sum3A_240 = arith.constant true
      %reduce_sum3A_241 = vector.broadcast %reduce_sum3A_240 : i1 to vector<16xi1>
      %reduce_sum3A_242 = tpu.scan <sum>, %get3A_239 masked %reduce_sum3A_241 : vector<16xf32>, vector<16xi1> -> vector<16xf32>
      %reduce_sum3A_243 = vector.extract %reduce_sum3A_242[15] : f32 from vector<16xf32>
      %eq3A_244 = arith.constant 11 : i32
      %eq3A_245 = vector.broadcast %eq3A_244 : i32 to vector<16xi32>
      %eq3A_246 = arith.cmpi eq, %iota3A, %eq3A_245 : vector<16xi32>
      %broadcast_in_dim3A_247 = vector.broadcast %reduce_sum3A_243 : f32 to vector<16xf32>
      %select_n3A_248 = arith.select %eq3A_246, %broadcast_in_dim3A_247, %select_n3A_231 : vector<16xi1>, vector<16xf32>
      %mul3A_249 = arith.constant 16 : i32
      %mul3A_250 = arith.muli %scan3A_48, %mul3A_249 : i32
      %add3A_251 = arith.constant 12 : i32
      %add3A_252 = arith.addi %mul3A_250, %add3A_251 : i32
      %mul3A_253 = arith.constant 16 : i32
      %mul3A_254 = arith.muli %add3A_252, %mul3A_253 : i32
      %get3A_255 = arith.index_cast %mul3A_254 : i32 to index
      %get3A_256 = tpu.vector_load %arg5[%get3A_255] {strides = array<i32>} : memref<32768xf32, #tpu.memory_space<vmem>>, vector<16xf32>,
      %reduce_sum3A_257 = arith.constant true
      %reduce_sum3A_258 = vector.broadcast %reduce_sum3A_257 : i1 to vector<16xi1>
      %reduce_sum3A_259 = tpu.scan <sum>, %get3A_256 masked %reduce_sum3A_258 : vector<16xf32>, vector<16xi1> -> vector<16xf32>
      %reduce_sum3A_260 = vector.extract %reduce_sum3A_259[15] : f32 from vector<16xf32>
      %eq3A_261 = arith.constant 12 : i32
      %eq3A_262 = vector.broadcast %eq3A_261 : i32 to vector<16xi32>
      %eq3A_263 = arith.cmpi eq, %iota3A, %eq3A_262 : vector<16xi32>
      %broadcast_in_dim3A_264 = vector.broadcast %reduce_sum3A_260 : f32 to vector<16xf32>
      %select_n3A_265 = arith.select %eq3A_263, %broadcast_in_dim3A_264, %select_n3A_248 : vector<16xi1>, vector<16xf32>
      %mul3A_266 = arith.constant 16 : i32
      %mul3A_267 = arith.muli %scan3A_48, %mul3A_266 : i32
      %add3A_268 = arith.constant 13 : i32
      %add3A_269 = arith.addi %mul3A_267, %add3A_268 : i32
      %mul3A_270 = arith.constant 16 : i32
      %mul3A_271 = arith.muli %add3A_269, %mul3A_270 : i32
      %get3A_272 = arith.index_cast %mul3A_271 : i32 to index
      %get3A_273 = tpu.vector_load %arg5[%get3A_272] {strides = array<i32>} : memref<32768xf32, #tpu.memory_space<vmem>>, vector<16xf32>,
      %reduce_sum3A_274 = arith.constant true
      %reduce_sum3A_275 = vector.broadcast %reduce_sum3A_274 : i1 to vector<16xi1>
      %reduce_sum3A_276 = tpu.scan <sum>, %get3A_273 masked %reduce_sum3A_275 : vector<16xf32>, vector<16xi1> -> vector<16xf32>
      %reduce_sum3A_277 = vector.extract %reduce_sum3A_276[15] : f32 from vector<16xf32>
      %eq3A_278 = arith.constant 13 : i32
      %eq3A_279 = vector.broadcast %eq3A_278 : i32 to vector<16xi32>
      %eq3A_280 = arith.cmpi eq, %iota3A, %eq3A_279 : vector<16xi32>
      %broadcast_in_dim3A_281 = vector.broadcast %reduce_sum3A_277 : f32 to vector<16xf32>
      %select_n3A_282 = arith.select %eq3A_280, %broadcast_in_dim3A_281, %select_n3A_265 : vector<16xi1>, vector<16xf32>
      %mul3A_283 = arith.constant 16 : i32
      %mul3A_284 = arith.muli %scan3A_48, %mul3A_283 : i32
      %add3A_285 = arith.constant 14 : i32
      %add3A_286 = arith.addi %mul3A_284, %add3A_285 : i32
      %mul3A_287 = arith.constant 16 : i32
      %mul3A_288 = arith.muli %add3A_286, %mul3A_287 : i32
      %get3A_289 = arith.index_cast %mul3A_288 : i32 to index
      %get3A_290 = tpu.vector_load %arg5[%get3A_289] {strides = array<i32>} : memref<32768xf32, #tpu.memory_space<vmem>>, vector<16xf32>,
      %reduce_sum3A_291 = arith.constant true
      %reduce_sum3A_292 = vector.broadcast %reduce_sum3A_291 : i1 to vector<16xi1>
      %reduce_sum3A_293 = tpu.scan <sum>, %get3A_290 masked %reduce_sum3A_292 : vector<16xf32>, vector<16xi1> -> vector<16xf32>
      %reduce_sum3A_294 = vector.extract %reduce_sum3A_293[15] : f32 from vector<16xf32>
      %eq3A_295 = arith.constant 14 : i32
      %eq3A_296 = vector.broadcast %eq3A_295 : i32 to vector<16xi32>
      %eq3A_297 = arith.cmpi eq, %iota3A, %eq3A_296 : vector<16xi32>
      %broadcast_in_dim3A_298 = vector.broadcast %reduce_sum3A_294 : f32 to vector<16xf32>
      %select_n3A_299 = arith.select %eq3A_297, %broadcast_in_dim3A_298, %select_n3A_282 : vector<16xi1>, vector<16xf32>
      %mul3A_300 = arith.constant 16 : i32
      %mul3A_301 = arith.muli %scan3A_48, %mul3A_300 : i32
      %add3A_302 = arith.constant 15 : i32
      %add3A_303 = arith.addi %mul3A_301, %add3A_302 : i32
      %mul3A_304 = arith.constant 16 : i32
      %mul3A_305 = arith.muli %add3A_303, %mul3A_304 : i32
      %get3A_306 = arith.index_cast %mul3A_305 : i32 to index
      %get3A_307 = tpu.vector_load %arg5[%get3A_306] {strides = array<i32>} : memref<32768xf32, #tpu.memory_space<vmem>>, vector<16xf32>,
      %reduce_sum3A_308 = arith.constant true
      %reduce_sum3A_309 = vector.broadcast %reduce_sum3A_308 : i1 to vector<16xi1>
      %reduce_sum3A_310 = tpu.scan <sum>, %get3A_307 masked %reduce_sum3A_309 : vector<16xf32>, vector<16xi1> -> vector<16xf32>
      %reduce_sum3A_311 = vector.extract %reduce_sum3A_310[15] : f32 from vector<16xf32>
      %eq3A_312 = arith.constant 15 : i32
      %eq3A_313 = vector.broadcast %eq3A_312 : i32 to vector<16xi32>
      %eq3A_314 = arith.cmpi eq, %iota3A, %eq3A_313 : vector<16xi32>
      %broadcast_in_dim3A_315 = vector.broadcast %reduce_sum3A_311 : f32 to vector<16xf32>
      %select_n3A_316 = arith.select %eq3A_314, %broadcast_in_dim3A_315, %select_n3A_299 : vector<16xi1>, vector<16xf32>
      %mul3A_317 = arith.constant 16 : i32
      %mul3A_318 = arith.muli %scan3A_48, %mul3A_317 : i32
      %swap3A = arith.index_cast %mul3A_318 : i32 to index
      %swap3A_319 = tpu.vector_load %arg6[%swap3A] {strides = array<i32>} : memref<2048xf32, #tpu.memory_space<vmem>>, vector<16xf32>,
      tpu.vector_store %arg6[%swap3A], %select_n3A_316 {strides = array<i32>} : memref<2048xf32, #tpu.memory_space<vmem>>, vector<16xf32>,
    }
    %scan3A_47 = arith.constant 128 : i32
    "tpu.region"() ({
      %run_scoped3A = tpu.sem_alloc : memref<!tpu.dma_semaphore, #tpu.memory_space<semaphore_mem>>
      %dma_start3A_48 = arith.constant 0 : i32
      %dma_start3A_49 = tpu.memref_slice %arg3[%add3A, %dma_start3A_48] : memref<32x2048xf32, #tpu.memory_space<hbm>> -> memref<1x2048xf32, #tpu.memory_space<hbm>>
      %dma_start3A_50 = tpu.memref_squeeze %dma_start3A_49 : memref<1x2048xf32, #tpu.memory_space<hbm>> -> memref<2048xf32, #tpu.memory_space<hbm>>
      %dma_start3A_51 = arith.constant 0 : i32
      %dma_start3A_52 = tpu.memref_slice %arg3[%add3A, %dma_start3A_51] : memref<32x2048xf32, #tpu.memory_space<hbm>> -> memref<1x2048xf32, #tpu.memory_space<hbm>>
      %dma_start3A_53 = tpu.memref_squeeze %dma_start3A_52 : memref<1x2048xf32, #tpu.memory_space<hbm>> -> memref<2048xf32, #tpu.memory_space<hbm>>
      tpu.enqueue_dma source(%arg6 : memref<2048xf32, #tpu.memory_space<vmem>>) target(%dma_start3A_53 : memref<2048xf32, #tpu.memory_space<hbm>>) target_semaphore(%run_scoped3A : memref<!tpu.dma_semaphore, #tpu.memory_space<semaphore_mem>>)
      %dma_wait3A = arith.constant 0 : i32
      %dma_wait3A_54 = tpu.memref_slice %arg3[%add3A, %dma_wait3A] : memref<32x2048xf32, #tpu.memory_space<hbm>> -> memref<1x2048xf32, #tpu.memory_space<hbm>>
      %dma_wait3A_55 = tpu.memref_squeeze %dma_wait3A_54 : memref<1x2048xf32, #tpu.memory_space<hbm>> -> memref<2048xf32, #tpu.memory_space<hbm>>
      %dma_wait3A_56 = arith.constant 0 : i32
      %dma_wait3A_57 = tpu.memref_slice %arg3[%add3A, %dma_wait3A_56] : memref<32x2048xf32, #tpu.memory_space<hbm>> -> memref<1x2048xf32, #tpu.memory_space<hbm>>
      %dma_wait3A_58 = tpu.memref_squeeze %dma_wait3A_57 : memref<1x2048xf32, #tpu.memory_space<hbm>> -> memref<2048xf32, #tpu.memory_space<hbm>>
      tpu.wait_dma2 semaphore(%run_scoped3A : memref<!tpu.dma_semaphore, #tpu.memory_space<semaphore_mem>>) src(%arg6 : memref<2048xf32, #tpu.memory_space<vmem>>) dst(%dma_wait3A_58 : memref<2048xf32, #tpu.memory_space<hbm>>)
      tpu.yield
    }) : () -> ()
    return
  }
}

module attributes {stable_mosaic.version = 14 : i64} {
  func.func @_tc_sims_body(%arg0: i32, %arg1: memref<1x64x512xf32, #tpu.memory_space<vmem>>, %arg2: memref<1x164x164xf32, #tpu.memory_space<vmem>>) attributes {dimension_semantics = [#tpu.dimension_semantics<arbitrary>], iteration_bounds = array<i64: 2>, scalar_prefetch = 0 : i64, scratch_operands = 0 : i64, tpu.core_type = #tpu.core_type<tc>, window_params = [{transform_indices = @transform_0, window_bounds = array<i64: 1, 64, 512>}, {transform_indices = @transform_1, window_bounds = array<i64: 1, 164, 164>}]} {
    %get3A = arith.constant 0 : index
    %get3A_0 = arith.constant 0 : index
    %get3A_1 = arith.constant 0 : index
    %get3A_2 = vector.load %arg1[%get3A, %get3A_0, %get3A_1] : memref<1x64x512xf32, #tpu.memory_space<vmem>>, vector<1x64x512xf32>
    %get3A_3 = vector.shape_cast %get3A_2 : vector<1x64x512xf32> to vector<64x512xf32>
    %mul3A = arith.mulf %get3A_3, %get3A_3 : vector<64x512xf32>
    %reduce_sum3A = arith.constant dense<0.000000e+00> : vector<64xf32>
    %reduce_sum3A_4 = vector.multi_reduction <add>, %mul3A, %reduce_sum3A [1] : vector<64x512xf32> to vector<64xf32>
    %broadcast_in_dim3A = vector.shape_cast %reduce_sum3A_4 : vector<64xf32> to vector<64x1xf32>
    %sqrt3A = math.sqrt %broadcast_in_dim3A : vector<64x1xf32>
    %max3A = arith.constant 9.99999996E-13 : f32
    %max3A_5 = vector.broadcast %max3A : f32 to vector<64x1xf32>
    %max3A_6 = arith.maximumf %sqrt3A, %max3A_5 : vector<64x1xf32>
    %div3A = vector.broadcast %max3A_6 : vector<64x1xf32> to vector<64x512xf32>
    %div3A_7 = arith.divf %get3A_3, %div3A : vector<64x512xf32>
    %dot_general3A = arith.constant dense<0.000000e+00> : vector<64x64xf32>
    %dot_general3A_8 = tpu.matmul %div3A_7, %div3A_7, %dot_general3A {dimension_numbers = #tpu.dot_dimension_numbers<[1], [1], [0], [0], [0, 0, 1, 0], [], []>, transpose_lhs_hint = false} : vector<64x512xf32>, vector<64x512xf32>, vector<64x64xf32> -> vector<64x64xf32>
    %broadcast_in_dim3A_9 = arith.constant 0.000000e+00 : f32
    %broadcast_in_dim3A_10 = vector.broadcast %broadcast_in_dim3A_9 : f32 to vector<64x50xf32>
    %concatenate3A = tpu.concatenate %broadcast_in_dim3A_10, %dot_general3A_8, %broadcast_in_dim3A_10 in 1 : vector<64x50xf32>, vector<64x64xf32>, vector<64x50xf32> -> vector<64x164xf32>
    %slice3A = vector.extract_strided_slice %concatenate3A {offsets = [63, 0], sizes = [1, 164], strides = [1, 1]} : vector<64x164xf32> to vector<1x164xf32>
    %broadcast_in_dim3A_11 = vector.shape_cast %slice3A : vector<1x164xf32> to vector<1x164xf32>
    %broadcast_in_dim3A_12 = vector.broadcast %broadcast_in_dim3A_11 : vector<1x164xf32> to vector<100x164xf32>
    %concatenate3A_13 = tpu.concatenate %concatenate3A, %broadcast_in_dim3A_12 in 0 : vector<64x164xf32>, vector<100x164xf32> -> vector<164x164xf32>
    %swap3A = arith.constant 0 : index
    %swap3A_14 = arith.constant 0 : index
    %swap3A_15 = arith.constant 0 : index
    %swap3A_16 = vector.load %arg2[%swap3A, %swap3A_14, %swap3A_15] : memref<1x164x164xf32, #tpu.memory_space<vmem>>, vector<1x164x164xf32>
    %swap3A_17 = vector.shape_cast %swap3A_16 : vector<1x164x164xf32> to vector<164x164xf32>
    %swap3A_18 = vector.shape_cast %concatenate3A_13 : vector<164x164xf32> to vector<1x164x164xf32>
    tpu.vector_store %arg2[%swap3A, %swap3A_14, %swap3A_15], %swap3A_18 {strides = array<i32>} : memref<1x164x164xf32, #tpu.memory_space<vmem>>, vector<1x164x164xf32>,
    return
  }
  func.func @transform_0(%arg0: i32) -> (i32, i32, i32) {
    %c0_i32 = arith.constant 0 : i32
    %c0_i32_0 = arith.constant 0 : i32
    %c0_i32_1 = arith.constant 0 : i32
    return %arg0, %c0_i32, %c0_i32_0 : i32, i32, i32
  }
  func.func @transform_1(%arg0: i32) -> (i32, i32, i32) {
    %c0_i32 = arith.constant 0 : i32
    %c0_i32_0 = arith.constant 0 : i32
    %c0_i32_1 = arith.constant 0 : i32
    return %arg0, %c0_i32, %c0_i32_0 : i32, i32, i32
  }
}

module attributes {stable_mosaic.version = 14 : i64} {
  func.func @_tc_expand_body(%arg0: i32, %arg1: i32, %arg2: memref<1x164x164xf32, #tpu.memory_space<vmem>>, %arg3: memref<1x2x8x101x164xf32, #tpu.memory_space<vmem>>) attributes {dimension_semantics = [#tpu.dimension_semantics<arbitrary>, #tpu.dimension_semantics<arbitrary>], iteration_bounds = array<i64: 2, 8>, scalar_prefetch = 0 : i64, scratch_operands = 0 : i64, tpu.core_type = #tpu.core_type<tc>, window_params = [{transform_indices = @transform_0, window_bounds = array<i64: 1, 164, 164>}, {transform_indices = @transform_1, window_bounds = array<i64: 1, 2, 8, 101, 164>}]} {
    %mul3A = arith.constant 8 : i32
    %mul3A_0 = arith.muli %arg1, %mul3A : i32
    %multiple_of3A = tpu.assume_multiple %mul3A_0, 8 : i32
    %get3A = arith.constant 0 : index
    %get3A_1 = arith.index_cast %multiple_of3A : i32 to index
    %get3A_2 = arith.constant 0 : index
    %get3A_3 = vector.load %arg2[%get3A, %get3A_1, %get3A_2] : memref<1x164x164xf32, #tpu.memory_space<vmem>>, vector<1x108x164xf32>
    %get3A_4 = vector.shape_cast %get3A_3 : vector<1x108x164xf32> to vector<108x164xf32>
    %slice3A = vector.extract_strided_slice %get3A_4 {offsets = [0, 0], sizes = [101, 164], strides = [1, 1]} : vector<108x164xf32> to vector<101x164xf32>
    %swap3A = arith.constant 0 : index
    %swap3A_5 = arith.constant 0 : index
    %swap3A_6 = arith.constant 0 : index
    %swap3A_7 = arith.constant 0 : index
    %swap3A_8 = arith.constant 0 : index
    %swap3A_9 = vector.load %arg3[%swap3A, %swap3A_5, %swap3A_6, %swap3A_7, %swap3A_8] : memref<1x2x8x101x164xf32, #tpu.memory_space<vmem>>, vector<1x1x1x101x164xf32>
    %swap3A_10 = vector.shape_cast %swap3A_9 : vector<1x1x1x101x164xf32> to vector<101x164xf32>
    %swap3A_11 = vector.shape_cast %slice3A : vector<101x164xf32> to vector<1x1x1x101x164xf32>
    tpu.vector_store %arg3[%swap3A, %swap3A_5, %swap3A_6, %swap3A_7, %swap3A_8], %swap3A_11 {strides = array<i32>} : memref<1x2x8x101x164xf32, #tpu.memory_space<vmem>>, vector<1x1x1x101x164xf32>,
    %swap3A_12 = arith.constant 0 : index
    %swap3A_13 = arith.constant 1 : index
    %swap3A_14 = arith.constant 0 : index
    %swap3A_15 = arith.constant 0 : index
    %swap3A_16 = arith.constant 0 : index
    %swap3A_17 = vector.load %arg3[%swap3A_12, %swap3A_13, %swap3A_14, %swap3A_15, %swap3A_16] : memref<1x2x8x101x164xf32, #tpu.memory_space<vmem>>, vector<1x1x1x101x164xf32>
    %swap3A_18 = vector.shape_cast %swap3A_17 : vector<1x1x1x101x164xf32> to vector<101x164xf32>
    %swap3A_19 = vector.shape_cast %slice3A : vector<101x164xf32> to vector<1x1x1x101x164xf32>
    tpu.vector_store %arg3[%swap3A_12, %swap3A_13, %swap3A_14, %swap3A_15, %swap3A_16], %swap3A_19 {strides = array<i32>} : memref<1x2x8x101x164xf32, #tpu.memory_space<vmem>>, vector<1x1x1x101x164xf32>,
    %slice3A_20 = vector.extract_strided_slice %get3A_4 {offsets = [1, 0], sizes = [101, 164], strides = [1, 1]} : vector<108x164xf32> to vector<101x164xf32>
    %swap3A_21 = arith.constant 0 : index
    %swap3A_22 = arith.constant 0 : index
    %swap3A_23 = arith.constant 1 : index
    %swap3A_24 = arith.constant 0 : index
    %swap3A_25 = arith.constant 0 : index
    %swap3A_26 = vector.load %arg3[%swap3A_21, %swap3A_22, %swap3A_23, %swap3A_24, %swap3A_25] : memref<1x2x8x101x164xf32, #tpu.memory_space<vmem>>, vector<1x1x1x101x164xf32>
    %swap3A_27 = vector.shape_cast %swap3A_26 : vector<1x1x1x101x164xf32> to vector<101x164xf32>
    %swap3A_28 = vector.shape_cast %slice3A_20 : vector<101x164xf32> to vector<1x1x1x101x164xf32>
    tpu.vector_store %arg3[%swap3A_21, %swap3A_22, %swap3A_23, %swap3A_24, %swap3A_25], %swap3A_28 {strides = array<i32>} : memref<1x2x8x101x164xf32, #tpu.memory_space<vmem>>, vector<1x1x1x101x164xf32>,
    %swap3A_29 = arith.constant 0 : index
    %swap3A_30 = arith.constant 1 : index
    %swap3A_31 = arith.constant 1 : index
    %swap3A_32 = arith.constant 0 : index
    %swap3A_33 = arith.constant 0 : index
    %swap3A_34 = vector.load %arg3[%swap3A_29, %swap3A_30, %swap3A_31, %swap3A_32, %swap3A_33] : memref<1x2x8x101x164xf32, #tpu.memory_space<vmem>>, vector<1x1x1x101x164xf32>
    %swap3A_35 = vector.shape_cast %swap3A_34 : vector<1x1x1x101x164xf32> to vector<101x164xf32>
    %swap3A_36 = vector.shape_cast %slice3A_20 : vector<101x164xf32> to vector<1x1x1x101x164xf32>
    tpu.vector_store %arg3[%swap3A_29, %swap3A_30, %swap3A_31, %swap3A_32, %swap3A_33], %swap3A_36 {strides = array<i32>} : memref<1x2x8x101x164xf32, #tpu.memory_space<vmem>>, vector<1x1x1x101x164xf32>,
    %slice3A_37 = vector.extract_strided_slice %get3A_4 {offsets = [2, 0], sizes = [101, 164], strides = [1, 1]} : vector<108x164xf32> to vector<101x164xf32>
    %swap3A_38 = arith.constant 0 : index
    %swap3A_39 = arith.constant 0 : index
    %swap3A_40 = arith.constant 2 : index
    %swap3A_41 = arith.constant 0 : index
    %swap3A_42 = arith.constant 0 : index
    %swap3A_43 = vector.load %arg3[%swap3A_38, %swap3A_39, %swap3A_40, %swap3A_41, %swap3A_42] : memref<1x2x8x101x164xf32, #tpu.memory_space<vmem>>, vector<1x1x1x101x164xf32>
    %swap3A_44 = vector.shape_cast %swap3A_43 : vector<1x1x1x101x164xf32> to vector<101x164xf32>
    %swap3A_45 = vector.shape_cast %slice3A_37 : vector<101x164xf32> to vector<1x1x1x101x164xf32>
    tpu.vector_store %arg3[%swap3A_38, %swap3A_39, %swap3A_40, %swap3A_41, %swap3A_42], %swap3A_45 {strides = array<i32>} : memref<1x2x8x101x164xf32, #tpu.memory_space<vmem>>, vector<1x1x1x101x164xf32>,
    %swap3A_46 = arith.constant 0 : index
    %swap3A_47 = arith.constant 1 : index
    %swap3A_48 = arith.constant 2 : index
    %swap3A_49 = arith.constant 0 : index
    %swap3A_50 = arith.constant 0 : index
    %swap3A_51 = vector.load %arg3[%swap3A_46, %swap3A_47, %swap3A_48, %swap3A_49, %swap3A_50] : memref<1x2x8x101x164xf32, #tpu.memory_space<vmem>>, vector<1x1x1x101x164xf32>
    %swap3A_52 = vector.shape_cast %swap3A_51 : vector<1x1x1x101x164xf32> to vector<101x164xf32>
    %swap3A_53 = vector.shape_cast %slice3A_37 : vector<101x164xf32> to vector<1x1x1x101x164xf32>
    tpu.vector_store %arg3[%swap3A_46, %swap3A_47, %swap3A_48, %swap3A_49, %swap3A_50], %swap3A_53 {strides = array<i32>} : memref<1x2x8x101x164xf32, #tpu.memory_space<vmem>>, vector<1x1x1x101x164xf32>,
    %slice3A_54 = vector.extract_strided_slice %get3A_4 {offsets = [3, 0], sizes = [101, 164], strides = [1, 1]} : vector<108x164xf32> to vector<101x164xf32>
    %swap3A_55 = arith.constant 0 : index
    %swap3A_56 = arith.constant 0 : index
    %swap3A_57 = arith.constant 3 : index
    %swap3A_58 = arith.constant 0 : index
    %swap3A_59 = arith.constant 0 : index
    %swap3A_60 = vector.load %arg3[%swap3A_55, %swap3A_56, %swap3A_57, %swap3A_58, %swap3A_59] : memref<1x2x8x101x164xf32, #tpu.memory_space<vmem>>, vector<1x1x1x101x164xf32>
    %swap3A_61 = vector.shape_cast %swap3A_60 : vector<1x1x1x101x164xf32> to vector<101x164xf32>
    %swap3A_62 = vector.shape_cast %slice3A_54 : vector<101x164xf32> to vector<1x1x1x101x164xf32>
    tpu.vector_store %arg3[%swap3A_55, %swap3A_56, %swap3A_57, %swap3A_58, %swap3A_59], %swap3A_62 {strides = array<i32>} : memref<1x2x8x101x164xf32, #tpu.memory_space<vmem>>, vector<1x1x1x101x164xf32>,
    %swap3A_63 = arith.constant 0 : index
    %swap3A_64 = arith.constant 1 : index
    %swap3A_65 = arith.constant 3 : index
    %swap3A_66 = arith.constant 0 : index
    %swap3A_67 = arith.constant 0 : index
    %swap3A_68 = vector.load %arg3[%swap3A_63, %swap3A_64, %swap3A_65, %swap3A_66, %swap3A_67] : memref<1x2x8x101x164xf32, #tpu.memory_space<vmem>>, vector<1x1x1x101x164xf32>
    %swap3A_69 = vector.shape_cast %swap3A_68 : vector<1x1x1x101x164xf32> to vector<101x164xf32>
    %swap3A_70 = vector.shape_cast %slice3A_54 : vector<101x164xf32> to vector<1x1x1x101x164xf32>
    tpu.vector_store %arg3[%swap3A_63, %swap3A_64, %swap3A_65, %swap3A_66, %swap3A_67], %swap3A_70 {strides = array<i32>} : memref<1x2x8x101x164xf32, #tpu.memory_space<vmem>>, vector<1x1x1x101x164xf32>,
    %slice3A_71 = vector.extract_strided_slice %get3A_4 {offsets = [4, 0], sizes = [101, 164], strides = [1, 1]} : vector<108x164xf32> to vector<101x164xf32>
    %swap3A_72 = arith.constant 0 : index
    %swap3A_73 = arith.constant 0 : index
    %swap3A_74 = arith.constant 4 : index
    %swap3A_75 = arith.constant 0 : index
    %swap3A_76 = arith.constant 0 : index
    %swap3A_77 = vector.load %arg3[%swap3A_72, %swap3A_73, %swap3A_74, %swap3A_75, %swap3A_76] : memref<1x2x8x101x164xf32, #tpu.memory_space<vmem>>, vector<1x1x1x101x164xf32>
    %swap3A_78 = vector.shape_cast %swap3A_77 : vector<1x1x1x101x164xf32> to vector<101x164xf32>
    %swap3A_79 = vector.shape_cast %slice3A_71 : vector<101x164xf32> to vector<1x1x1x101x164xf32>
    tpu.vector_store %arg3[%swap3A_72, %swap3A_73, %swap3A_74, %swap3A_75, %swap3A_76], %swap3A_79 {strides = array<i32>} : memref<1x2x8x101x164xf32, #tpu.memory_space<vmem>>, vector<1x1x1x101x164xf32>,
    %swap3A_80 = arith.constant 0 : index
    %swap3A_81 = arith.constant 1 : index
    %swap3A_82 = arith.constant 4 : index
    %swap3A_83 = arith.constant 0 : index
    %swap3A_84 = arith.constant 0 : index
    %swap3A_85 = vector.load %arg3[%swap3A_80, %swap3A_81, %swap3A_82, %swap3A_83, %swap3A_84] : memref<1x2x8x101x164xf32, #tpu.memory_space<vmem>>, vector<1x1x1x101x164xf32>
    %swap3A_86 = vector.shape_cast %swap3A_85 : vector<1x1x1x101x164xf32> to vector<101x164xf32>
    %swap3A_87 = vector.shape_cast %slice3A_71 : vector<101x164xf32> to vector<1x1x1x101x164xf32>
    tpu.vector_store %arg3[%swap3A_80, %swap3A_81, %swap3A_82, %swap3A_83, %swap3A_84], %swap3A_87 {strides = array<i32>} : memref<1x2x8x101x164xf32, #tpu.memory_space<vmem>>, vector<1x1x1x101x164xf32>,
    %slice3A_88 = vector.extract_strided_slice %get3A_4 {offsets = [5, 0], sizes = [101, 164], strides = [1, 1]} : vector<108x164xf32> to vector<101x164xf32>
    %swap3A_89 = arith.constant 0 : index
    %swap3A_90 = arith.constant 0 : index
    %swap3A_91 = arith.constant 5 : index
    %swap3A_92 = arith.constant 0 : index
    %swap3A_93 = arith.constant 0 : index
    %swap3A_94 = vector.load %arg3[%swap3A_89, %swap3A_90, %swap3A_91, %swap3A_92, %swap3A_93] : memref<1x2x8x101x164xf32, #tpu.memory_space<vmem>>, vector<1x1x1x101x164xf32>
    %swap3A_95 = vector.shape_cast %swap3A_94 : vector<1x1x1x101x164xf32> to vector<101x164xf32>
    %swap3A_96 = vector.shape_cast %slice3A_88 : vector<101x164xf32> to vector<1x1x1x101x164xf32>
    tpu.vector_store %arg3[%swap3A_89, %swap3A_90, %swap3A_91, %swap3A_92, %swap3A_93], %swap3A_96 {strides = array<i32>} : memref<1x2x8x101x164xf32, #tpu.memory_space<vmem>>, vector<1x1x1x101x164xf32>,
    %swap3A_97 = arith.constant 0 : index
    %swap3A_98 = arith.constant 1 : index
    %swap3A_99 = arith.constant 5 : index
    %swap3A_100 = arith.constant 0 : index
    %swap3A_101 = arith.constant 0 : index
    %swap3A_102 = vector.load %arg3[%swap3A_97, %swap3A_98, %swap3A_99, %swap3A_100, %swap3A_101] : memref<1x2x8x101x164xf32, #tpu.memory_space<vmem>>, vector<1x1x1x101x164xf32>
    %swap3A_103 = vector.shape_cast %swap3A_102 : vector<1x1x1x101x164xf32> to vector<101x164xf32>
    %swap3A_104 = vector.shape_cast %slice3A_88 : vector<101x164xf32> to vector<1x1x1x101x164xf32>
    tpu.vector_store %arg3[%swap3A_97, %swap3A_98, %swap3A_99, %swap3A_100, %swap3A_101], %swap3A_104 {strides = array<i32>} : memref<1x2x8x101x164xf32, #tpu.memory_space<vmem>>, vector<1x1x1x101x164xf32>,
    %slice3A_105 = vector.extract_strided_slice %get3A_4 {offsets = [6, 0], sizes = [101, 164], strides = [1, 1]} : vector<108x164xf32> to vector<101x164xf32>
    %swap3A_106 = arith.constant 0 : index
    %swap3A_107 = arith.constant 0 : index
    %swap3A_108 = arith.constant 6 : index
    %swap3A_109 = arith.constant 0 : index
    %swap3A_110 = arith.constant 0 : index
    %swap3A_111 = vector.load %arg3[%swap3A_106, %swap3A_107, %swap3A_108, %swap3A_109, %swap3A_110] : memref<1x2x8x101x164xf32, #tpu.memory_space<vmem>>, vector<1x1x1x101x164xf32>
    %swap3A_112 = vector.shape_cast %swap3A_111 : vector<1x1x1x101x164xf32> to vector<101x164xf32>
    %swap3A_113 = vector.shape_cast %slice3A_105 : vector<101x164xf32> to vector<1x1x1x101x164xf32>
    tpu.vector_store %arg3[%swap3A_106, %swap3A_107, %swap3A_108, %swap3A_109, %swap3A_110], %swap3A_113 {strides = array<i32>} : memref<1x2x8x101x164xf32, #tpu.memory_space<vmem>>, vector<1x1x1x101x164xf32>,
    %swap3A_114 = arith.constant 0 : index
    %swap3A_115 = arith.constant 1 : index
    %swap3A_116 = arith.constant 6 : index
    %swap3A_117 = arith.constant 0 : index
    %swap3A_118 = arith.constant 0 : index
    %swap3A_119 = vector.load %arg3[%swap3A_114, %swap3A_115, %swap3A_116, %swap3A_117, %swap3A_118] : memref<1x2x8x101x164xf32, #tpu.memory_space<vmem>>, vector<1x1x1x101x164xf32>
    %swap3A_120 = vector.shape_cast %swap3A_119 : vector<1x1x1x101x164xf32> to vector<101x164xf32>
    %swap3A_121 = vector.shape_cast %slice3A_105 : vector<101x164xf32> to vector<1x1x1x101x164xf32>
    tpu.vector_store %arg3[%swap3A_114, %swap3A_115, %swap3A_116, %swap3A_117, %swap3A_118], %swap3A_121 {strides = array<i32>} : memref<1x2x8x101x164xf32, #tpu.memory_space<vmem>>, vector<1x1x1x101x164xf32>,
    %slice3A_122 = vector.extract_strided_slice %get3A_4 {offsets = [7, 0], sizes = [101, 164], strides = [1, 1]} : vector<108x164xf32> to vector<101x164xf32>
    %swap3A_123 = arith.constant 0 : index
    %swap3A_124 = arith.constant 0 : index
    %swap3A_125 = arith.constant 7 : index
    %swap3A_126 = arith.constant 0 : index
    %swap3A_127 = arith.constant 0 : index
    %swap3A_128 = vector.load %arg3[%swap3A_123, %swap3A_124, %swap3A_125, %swap3A_126, %swap3A_127] : memref<1x2x8x101x164xf32, #tpu.memory_space<vmem>>, vector<1x1x1x101x164xf32>
    %swap3A_129 = vector.shape_cast %swap3A_128 : vector<1x1x1x101x164xf32> to vector<101x164xf32>
    %swap3A_130 = vector.shape_cast %slice3A_122 : vector<101x164xf32> to vector<1x1x1x101x164xf32>
    tpu.vector_store %arg3[%swap3A_123, %swap3A_124, %swap3A_125, %swap3A_126, %swap3A_127], %swap3A_130 {strides = array<i32>} : memref<1x2x8x101x164xf32, #tpu.memory_space<vmem>>, vector<1x1x1x101x164xf32>,
    %swap3A_131 = arith.constant 0 : index
    %swap3A_132 = arith.constant 1 : index
    %swap3A_133 = arith.constant 7 : index
    %swap3A_134 = arith.constant 0 : index
    %swap3A_135 = arith.constant 0 : index
    %swap3A_136 = vector.load %arg3[%swap3A_131, %swap3A_132, %swap3A_133, %swap3A_134, %swap3A_135] : memref<1x2x8x101x164xf32, #tpu.memory_space<vmem>>, vector<1x1x1x101x164xf32>
    %swap3A_137 = vector.shape_cast %swap3A_136 : vector<1x1x1x101x164xf32> to vector<101x164xf32>
    %swap3A_138 = vector.shape_cast %slice3A_122 : vector<101x164xf32> to vector<1x1x1x101x164xf32>
    tpu.vector_store %arg3[%swap3A_131, %swap3A_132, %swap3A_133, %swap3A_134, %swap3A_135], %swap3A_138 {strides = array<i32>} : memref<1x2x8x101x164xf32, #tpu.memory_space<vmem>>, vector<1x1x1x101x164xf32>,
    return
  }
  func.func @transform_0(%arg0: i32, %arg1: i32) -> (i32, i32, i32) {
    %c0_i32 = arith.constant 0 : i32
    %c0_i32_0 = arith.constant 0 : i32
    %c0_i32_1 = arith.constant 0 : i32
    return %arg0, %c0_i32, %c0_i32_0 : i32, i32, i32
  }
  func.func @transform_1(%arg0: i32, %arg1: i32) -> (i32, i32, i32, i32, i32) {
    %c0_i32 = arith.constant 0 : i32
    %c0_i32_0 = arith.constant 0 : i32
    %c0_i32_1 = arith.constant 0 : i32
    %c0_i32_2 = arith.constant 0 : i32
    return %arg0, %c0_i32, %arg1, %c0_i32_0, %c0_i32_1 : i32, i32, i32, i32, i32
  }
}

</mosaic_0001>

<sc_bundles>
// kernel: kernel.5.cloned.1.call-start
scs
__scs_entry_jumppad:
0x0: {  	(pc) =	sbr.rel $0x88, $3  }
0x1: {  	(tag) =	ssettag $0x0;
	lr =	simm.s32 $0x1  }
0x2: {  	[smem:$0x3FA0] =	sst lr;
	_ =	strace $0xD0000000  }
0x3: {  	_ = 	snop  }
0x4: {  	_ = 	snop  }
0x5: {  	_ = 	snop  }
0x6: {  	_ = 	snop  }
0x7: {  	_ = 	snop  }
__scs_overlays_trampoline_lowered:
0x8: {  	[smem:$0x3FAF] =	sst s0  }
0x9: {  	[smem:$0x3FB0] =	sst s1  }
0xa: {  	[smem:$0x3FB1] =	sst s2  }
0xb: {  	[smem:$0x3FB2] =	sst s3  }
0xc: {  	[smem:$0x3FB3] =	sst s4  }
0xd: {  	[smem:$0x3FB4] =	sst s5  }
0xe: {  	[smem:$0x3FB5] =	sst s6  }
0xf: {  	[smem:$0x3FB6] =	sst s7  }
0x10: {  	[smem:$0x3FB7] =	sst s8  }
0x11: {  	[smem:$0x3FB8] =	sst s9;
	s0 =	simm.s32 @!p0 $0x0  }
0x12: {  	s1 =	sld [smem:$0x3F9E];
	s0 =	simm.s32 @p0 $0x1  }
0x13: {  	[smem:$0x3FB9] =	sst s0;
	s0 =	simm.s32 @!p1 $0x0  }
0x14: {  	s2 =	sld [smem:$0x3F9D];
	s0 =	simm.s32 @p1 $0x1  }
0x15: {  	[smem:$0x3FBA] =	sst s0;
	s0 =	simm.s32 @!p2 $0x0  }
0x16: {  	s3 =	sld [smem:$0x3FDB];
	s0 =	simm.s32 @p2 $0x1  }
0x17: {  	s4 =	simm.s32 $0x1BF5;
	[smem:$0x3FBC] =	sst s0  }
0x18: {  	s0 =	sld [smem:$0x3F9F];
	_ =	swait.ge [sflag:s4], $0x0  }
0x19: {  	s7 =	sld [smem:$0x3FA0]  }
0x1a: {  	s8 =	sadd.s32 $0xFFFFE003, lr  }
0x1b: {  	s9 =	sadd.s32 $0xFFFFFEF7, lr;
	s5 =	simm.s32 $0xFFFFFFFF;
	p2 =	slt.u32 s8, $0xFFFFF086  }
0x1c: {  	p1 =	slt.u32 s9, $0xF7A;
	s5 =	simm.s32 @!p2 $0x0  }
0x1d: {  	s5 =	simm.s32 @p1 $0x1;
	p0 =	seq.s32 s7, s2  }
0x1e: {  	s7 =	smul.u32 @!p0 $0xF7A, s2;
	p2 =	seq.s32 @!p0 s5, $0x0  }
0x1f: {  	s9 =	smul.u32 $0xF7A, s1;
	s8 =	simm.s32 @!p0 $0x1BF5;
	p2 =	por !p2, p0  }
0x20: {  	[sflag:s8] =	ssyncset.s32 @!p0 $0xFFFFF086;
	s6 =	sadd.s32 @!p0 s3, s7;
	s7 =	simm.s32 @!p0 $0x108  }
0x21: {  	s3 =	sadd.s32 s3, s9;
	s6 =	sadd.s32 @!p0 $0x88, s6;
	s7 =	simm.s32 @p2 $0x1082  }
0x22: {  	[simem:s7], [sflag:s8] =	dma.local @!p0 [hbm:s6], $0xF7A  }
0x23: {  	s9 =	sor.u32 $0xD0000000, s2;
	s6 =	simm.s32 $0x108;
	_ =	swait.ge @!p0 [sflag:s8], $0x0  }
0x24: {  	s3 =	sadd.s32 $0x88, s3;
	s6 =	simm.s32 @!p1 $0x1082;
	[sflag:s4] =	ssyncset.s32 $0xFFFFF086  }
0x25: {  	[simem:s6], [sflag:s4] =	dma.local [hbm:s3], $0xF7A  }
0x26: {  	[smem:$0x3FA0] =	sst s1;
	(tag) =	ssettag s2;
	_ =	strace s9  }
0x27: {  	s1 =	sld [smem:$0x3FB0]  }
0x28: {  	s2 =	sld [smem:$0x3FB1]  }
0x29: {  	s4 =	sld [smem:$0x3FB3]  }
0x2a: {  	p0 =	seq.s32 s5, $0x0;
	s5 =	sld [smem:$0x3FB4]  }
0x2b: {  	s6 =	sld [smem:$0x3FB5]  }
0x2c: {  	s7 =	sld [smem:$0x3FB6]  }
0x2d: {  	s3 =	simm.s32 $0x108;
	s8 =	sld [smem:$0x3FB7]  }
0x2e: {  	s3 =	simm.s32 @!p0 $0x1082;
	s9 =	sld [smem:$0x3FB8]  }
0x2f: {  	lr =	sadd.s32 s0, s3;
	s0 =	sld [smem:$0x3FAF]  }
0x30: {  	s3 =	sld [smem:$0x3FB2]  }
0x31: {  	[smem:$0x3FBB] =	sst s10  }
0x32: {  	s10 =	sld [smem:$0x3FB9];
	_ =	sdelay $0x3  }
0x33: {  	p0 =	seq.s32 s10, $0x1;
	s10 =	sld [smem:$0x3FBB];
	_ =	sdelay $0x3  }
0x34: {  	[smem:$0x3FBB] =	sst s10  }
0x35: {  	s10 =	sld [smem:$0x3FBA];
	_ =	sdelay $0x3  }
0x36: {  	p1 =	seq.s32 s10, $0x1;
	s10 =	sld [smem:$0x3FBB];
	_ =	sdelay $0x3  }
0x37: {  	[smem:$0x3FBB] =	sst s10  }
0x38: {  	s10 =	sld [smem:$0x3FBC]  }
0x39: {  	_ = 	snop;
	(pc) =	sbr.ind lr, $3  }
0x3a: {  	_ = 	snop  }
0x3b: {  	_ = 	snop  }
0x3c: {  	p2 =	seq.s32 s10, $0x1;
	s10 =	sld [smem:$0x3FBB]  }
0x3d: {  	_ =	shalt  }
0x3e: {  	_ =	shalt  }
0x3f: {  	_ =	shalt  }
0x40: {  	_ =	shalt  }
0x41: {  	_ =	shalt  }
0x42: {  	_ =	shalt  }
0x43: {  	_ =	shalt  }
0x44: {  	_ =	shalt  }
0x45: {  	_ =	shalt  }
0x46: {  	_ =	shalt  }
0x47: {  	_ =	shalt  }
0x48: {  	_ =	shalt  }
0x49: {  	_ =	shalt  }
0x4a: {  	_ =	shalt  }
0x4b: {  	_ =	shalt  }
0x4c: {  	_ =	shalt  }
0x4d: {  	_ =	shalt  }
0x4e: {  	_ =	shalt  }
0x4f: {  	_ =	shalt  }
0x50: {  	_ =	shalt  }
0x51: {  	_ =	shalt  }
0x52: {  	_ =	shalt  }
0x53: {  	_ =	shalt  }
0x54: {  	_ =	shalt  }
0x55: {  	_ =	shalt  }
0x56: {  	_ =	shalt  }
0x57: {  	_ =	shalt  }
0x58: {  	_ =	shalt  }
0x59: {  	_ =	shalt  }
0x5a: {  	_ =	shalt  }
0x5b: {  	_ =	shalt  }
0x5c: {  	_ =	shalt  }
0x5d: {  	_ =	shalt  }
0x5e: {  	_ =	shalt  }
0x5f: {  	_ =	shalt  }
0x60: {  	_ =	shalt  }
0x61: {  	_ =	shalt  }
0x62: {  	_ =	shalt  }
0x63: {  	_ =	shalt  }
0x64: {  	_ =	shalt  }
0x65: {  	_ =	shalt  }
0x66: {  	_ =	shalt  }
0x67: {  	_ =	shalt  }
0x68: {  	_ =	shalt  }
0x69: {  	_ =	shalt  }
0x6a: {  	_ =	shalt  }
0x6b: {  	_ =	shalt  }
0x6c: {  	_ =	shalt  }
0x6d: {  	_ =	shalt  }
0x6e: {  	_ =	shalt  }
0x6f: {  	_ =	shalt  }
0x70: {  	_ =	shalt  }
0x71: {  	_ =	shalt  }
0x72: {  	_ =	shalt  }
0x73: {  	_ =	shalt  }
0x74: {  	_ =	shalt  }
0x75: {  	_ =	shalt  }
0x76: {  	_ =	shalt  }
0x77: {  	_ =	shalt  }
0x78: {  	_ =	shalt  }
0x79: {  	_ =	shalt  }
0x7a: {  	_ =	shalt  }
0x7b: {  	_ =	shalt  }
0x7c: {  	_ =	shalt  }
0x7d: {  	_ =	shalt  }
0x7e: {  	_ =	shalt  }
0x7f: {  	_ =	shalt  }
0x80: {  	_ =	shalt  }
0x81: {  	_ =	shalt  }
0x82: {  	_ =	shalt  }
0x83: {  	_ =	shalt  }
0x84: {  	_ =	shalt  }
0x85: {  	_ =	shalt  }
0x86: {  	_ =	shalt  }
0x87: {  	_ =	shalt  }
.Lfunc_end0:
.L_simem_size_0:
called_computation_lowered:
.L_overlay_start_0:
0x88: {  	s2 =	sld [smem:$0x3FD9]  }
0x89: {  	s3 =	sld [smem:$0x3FFE];
	_ =	sdelay $0x1  }
0x8a: {  	s1 =	srdreg.scid  }
0x8b: {  	s0 =	sand.u32 $0x1, s1  }
0x8c: {  	s17 =	sshll.u32 s0, $0xA;
	s2 =	sadd.s32 s3, s2  }
0x8d: {  	s2 =	sadd.s32 s2, s17  }
0x8e: {  	[smem:$0x3FC7] =	sst s2  }
0x8f: {  	_ = 	snop  }
0x90: {  	s2 =	sld [smem:$0x3FD0];
	(tm) =	ssettm $0x1  }
0x91: {  	s18 =	sld [smem:$0x3FFB];
	_ =	sdelay $0x3  }
0x92: {  	_ =	strace s18  }
0x93: {  	s3 =	sld [smem:$0x3FFC];
	_ =	sdelay $0x3  }
0x94: {  	_ =	strace s3  }
0x95: {  	s3 =	sld [smem:$0x3FFD];
	_ =	sdelay $0x3  }
0x96: {  	_ =	strace s3  }
0x97: {  	_ =	strace $0x8FFFFFFF  }
0x98: {  	s19 =	sld [smem:$0x3FDB];
	_ =	sdelay $0x1  }
0x99: {  	s4 =	simm.s32 $_scs_section_size  }
0x9a: {  	s5 =	simm.s32 $_size__tile_overlayer_lowered;
	s6 =	simm.s32 $_tile_overlayer_lowered  }
0x9b: {  	s22 =	simm.s32 $0x1BFF;
	s21 =	sshll.u32 s6, $0x1;
	s3 =	sadd.s32 s4, s19  }
0x9c: {  	s7 =	simm.s32 $0x0;
	s20 =	sshll.u32 s5, $0x1;
	s5 =	sadd.s32 s21, s3  }
0x9d: {  	[timem:s7], [sflag:s22] =	dma.local [hbm:s5], s20  }
0x9e: {  	_ =	swait.ge [sflag:s22], s20  }
0x9f: {  	s4 =	ssub.s32 $0x0, s20;
	[sflag:s22] =	ssyncset.done $0x0  }
0xa0: {  	[sflag:s22] =	ssyncadd.s32 s4;
	_ =	sdelay $0x1  }
0xa1: {  	s23 =	simm.s32 $0x1B8B  }
0xa2: {  	_ =	swait.ge [sflag:s23], $0x1  }
0xa3: {  	[sflag:s23] =	ssyncset.done $0x0  }
0xa4: {  	s25 =	simm.s32 $0x1B8E;
	s24 =	sld [smem:$0x3FFE];
	[sflag:s23] =	ssyncadd.s32 $0xFFFFFFFF  }
0xa5: {  	s26 =	simm.s32 $execute0_lowered;
	[smem:$0x3FD2] =	sst s25  }
0xa6: {  	s5 =	sshll.u32 s26, $0x1;
	_ =	strace $0x80000046;
	[dreg:$0x1] =	wrdreg $0xFFFFFFFF  }
0xa7: {  	s28 =	simm.s32 $_size_execute0_lowered;
	s3 =	sadd.s32 s3, s5;
	[dreg:$0x0] =	wrdreg $0x0  }
0xa8: {  	s5 =	sshll.u32 s28, $0x1;
	[dreg:$0x2] =	wrdreg s3  }
0xa9: {  	[dreg:$0x3] =	wrdreg s5  }
0xaa: {  	[dreg:$0x4] =	wrdreg $0xC0  }
0xab: {  	_ =	task [dreg:s7], $0x5FFFF  }
0xac: {  	[dreg:$0x1] =	wrdreg $0xFFFFFFFF  }
0xad: {  	[dreg:$0x0] =	wrdreg $0x60  }
0xae: {  	[dreg:$0x2] =	wrdreg s24  }
0xaf: {  	[dreg:$0x3] =	wrdreg s2  }
0xb0: {  	[dreg:$0x4] =	wrdreg $0x9  }
0xb1: {  	_ =	task.clear_ibuf [dreg:s7], $0x5FFFF;
	_ =	strace $0x90000046  }
0xb2: {  	s29 =	simm.s32 $0x9;
	_ =	strace $0x80000048  }
0xb3: {  	_ =	swait.ge [sflag:s29], $0x1  }
0xb4: {  	[sflag:s29] =	ssyncadd.s32 $0xFFFFFFFF  }
0xb5: {  	_ =	strace $0x90000048  }
0xb6: {  	_ =	sfence  }
0xb7: {  	s30 =	sld [smem:$0x0];
	_ =	sdelay $0x2  }
0xb8: {  	s31 =	sshll.u32 s1, $0xD;
	s1 =	sshrl.u32 s1, $0x2  }
0xb9: {  	s3 =	sand.u32 $0x4000, s31;
	s1 =	sadd.s32 s1, s30  }
0xba: {  	s0 =	sor.u32 s3, s0;
	s1 =	sshll.u32 s1, $0x11  }
0xbb: {  	s0 =	sor.u32 s1, s0  }
0xbc: {  	s0 =	sadd.s32 $0x8F2B, s0  }
0xbd: {  	[sflag:s0] =	ssyncadd.remote.s32 $0x1  }
0xbe: {  	_ =	sfence.sel $0xFFFF  }
0xbf: {  	[dreg:$0x0] =	wrdreg $0xFFFFFFFF;
	(pc) =	sbr.abs _section_cstart, $3  }
0xc0: {  	[dreg:$0x1] =	wrdreg $0xFFFFFFFF  }
0xc1: {  	_ =	task.clear_ibuf [dreg:s7], $0x2FFFF;
	_ =	strace $0x9FFFFFFF  }
0xc2: {  	(tm) =	ssettm $0x7FFFFFFF  }
0xc3: {  	_ =	shalt  }
tec
execute0_lowered:
.L_overlay_start_1:
0x0: {  	(tag) =	ssettag $0x1  }
0x1: {  	s3 =	rddreg [dreg:$0x0]  }
0x2: {  	s6 =	rddreg [dreg:$0x1];
	s1 =	srdreg.scid  }
0x3: {  	s0 =	rddreg [dreg:$0x2];
	s2 =	simm.s32 $0x0;
	s10 =	simm.s32 $0x9300  }
0x4: {  	s11 =	simm.s32 $0x11300;
	s12 =	simm.s32 $0x3;
	s13 =	simm.s32 $0x0  }
0x5: {  	v0 =	vimm.f32 $0.0e+00;
	v1 =	vlaneseq.u32;
	v2 =	vimm.f32 $1.000000000e+00;
	s4 =	sand.u32 $0x1, s1;
	[smem:$0x7FF] =	sst s2;
	s1 =	stileid.u32  }
0x6: {  	vm0 =	vmmov $0x1;
	vm1 =	vmmov $0x3;
	vm2 =	vmmov $0x7;
	s3 =	sadd.s32 $0x400, s3;
	s5 =	sshll.u32 s4, $0x4;
	s4 =	ssub.s32 $0x2, s4  }
0x7: {  	vm3 =	vmmov $0xf;
	vm4 =	vmmov $0x1f;
	vm5 =	vmmov $0x3f;
	_ =	strace $0x80000047;
	s5 =	sor.u32 s1, s5;
	s7 =	sshrl.u32 s4, $0x1  }
0x8: {  	vm6 =	vmmov $0x7f;
	vm7 =	vmmov $0xff;
	vm8 =	vmmov $0x1ff;
	s8 =	smul.u32 $0x12600, s5;
	s7 =	ssub.s32 s4, s7;
	s9 =	sshll.u32 s5, $0x8  }
0x9: {  	vm9 =	vmmov $0x3ff;
	vm10 =	vmmov $0x7ff;
	vm11 =	vmmov $0xfff;
	s4 =	sshll.u32 s5, $0x2;
	s6 =	sadd.s32 s6, s9;
	s7 =	smax.u32 s7, $0x1  }
0xa: {  	vm12 =	vmmov $0x1fff;
	vm13 =	vmmov $0x3fff;
	vm14 =	vmmov $0x7fff;
	s9 =	simm.s32 $0xC400;
	s5 =	sadd.s32 s3, s8;
	s8 =	simm.s32 $0x1880  }
.LBB2_1:
0xb: {  	s14 =	simm.s32 $0x0;
	s15 =	simm.s32 $0x200  }
.LBB2_2:
0xc: {  	p0 =	sne.s32 s15, $0x1FE00;
	[tilespmem:s14+$0x9370] =	vst v0  }
0xd: {  	[tilespmem:s14+$0x9300] =	vst v0  }
0xe: {  	[tilespmem:s14+$0x9310] =	vst v0  }
.Ltmp0:
0xf: {  	[tilespmem:s14+$0x9320] =	vst v0;
	(pc) =	sbr.rel @p0 .LBB2_2-.Ltmp0, $4  }
0x10: {  	[tilespmem:s14+$0x9330] =	vst v0  }
0x11: {  	[tilespmem:s14+$0x9340] =	vst v0  }
0x12: {  	[tilespmem:s14+$0x9350] =	vst v0  }
0x13: {  	[tilespmem:s14+$0x9360] =	vst v0;
	s14 =	sshra.s32 s15, $0x2;
	s15 =	sadd.s32 $0x200, s15  }
0x14: {  	[tilespmem:s14+$0x9370] =	vst v0  }
0x15: {  	[tilespmem:s14+$0x9300] =	vst v0  }
0x16: {  	[tilespmem:s14+$0x9310] =	vst v0  }
0x17: {  	[tilespmem:s14+$0x9320] =	vst v0  }
0x18: {  	[tilespmem:s14+$0x9330] =	vst v0  }
0x19: {  	[tilespmem:s14+$0x9340] =	vst v0  }
0x1a: {  	[tilespmem:s14+$0x9350] =	vst v0  }
0x1b: {  	[tilespmem:s14+$0x9360] =	vst v0;
	s14 =	simm.s32 $0x0;
	p0 =	por $0x0, $0x0  }
0x1c: {  	[tilespmem:s14], [sflag:$0x1] =	stream.strided.gather [hbm4b:s5+s8], $0x4980, s9, s8, $0x38;
	[tilespmem:$0x11B00] =	vst v63  }
.LBB2_4:
0x1d: {  	p1 =	seq.s32 s14, $0x1F;
	s15 =	simm.s32 $0x1  }
0x1e: {  	s16 =	sadd.s32 @!p1 $0x1, s14;
	s15 =	simm.s32 @!p0 $0x0  }
0x1f: {  	s17 =	sshrl.u32 @!p1 s16, $0x3;
	s15 =	smul.u32 $0x12600, s15;
	s16 =	sand.u32 @!p1 $0x7, s16  }
0x20: {  	s17 =	sadd.s32 @!p1 s4, s17;
	s16 =	smul.u32 @!p1 $0x1880, s16  }
0x21: {  	s18 =	sand.u32 $0x1, s14;
	s17 =	smul.u32 @!p1 $0x24C00, s17  }
0x22: {  	s19 =	sxor.u32 @!p1 $0x1, s18;
	s21 =	simm.s32 @!p1 $0xC400;
	s29 =	sadd.s32 $0x1, s18  }
0x23: {  	s20 =	smul.u32 @!p1 $0x12600, s19;
	s15 =	sshrl.u32 s15, $0x2;
	s16 =	sadd.s32 @!p1 s16, s17  }
0x24: {  	s19 =	sadd.s32 @!p1 $0x1, s19;
	s15 =	sadd.s32 $0x31D0, s15;
	s16 =	sshrl.u32 @!p1 s16, $0x3  }
0x25: {  	s17 =	sshrl.u32 @!p1 s20, $0x2;
	s20 =	simm.s32 @!p1 $0x1880;
	v4 =	vmov s15;
	s16 =	sadd.s32 @!p1 s3, s16  }
0x26: {  	[tilespmem:s17], [sflag:s19] =	stream.strided.gather @!p1 [hbm4b:s16+s20], $0x4980, s21, s20, $0x38;
	[tilespmem:$0x11B00] =	vst v63  }
0x27: {  	_ =	swait.ge [sflag:s29], $0x4980  }
0x28: {  	[sflag:s29] =	ssyncset.done $0x0  }
0x29: {  	s30 =	simm.s32 $0xFFFFE780;
	[sflag:s29] =	ssyncadd.s32 $0xFFFFB680  }
0x2a: {  	v3 =	vld.idx.msk [tilespmem:v4+s30+$0xFFFFE6B0 ss:$0x1], $0xffff  }
0x2b: {  	v5 =	vld.idx.msk [tilespmem:v4+s30+$0xFFFFFF30 ss:$0x1], $0xffff  }
0x2c: {  	v6 =	vld.idx.msk [tilespmem:v4+s30+$0x17B0 ss:$0x1], $0xffff;
	_ =	sdelay $0x3  }
0x2d: {  	v3 =	vshll.u32 v3, $0x5;
	v5 =	vshll.u32 v5, $0x2  }
0x2e: {  	s31 =	sshll.u32 s14, $0xA;
	v6 =	vshrl.u32 v6, $0x1;
	v3 =	vand.u32 $0x1C00, v3;
	v5 =	vand.u32 $0x380, v5  }
0x2f: {  	s15 =	sand.u32 $0x6000, s31;
	v6 =	vand.u32 $0x70, v6;
	v5 =	vor.u32 v5, v3  }
0x30: {  	v3 =	vor.u32 s15, v1;
	v5 =	vor.u32 v6, v5  }
0x31: {  	v5 =	vor.u32 v3, v5;
	_ =	sdelay $0x4  }
0x32: {  	[tilespmem:v5+s10+$0x0] =	vst.idx.add.f32.msk $0xffff, v2  }
0x33: {  	v5 =	vld.idx.msk [tilespmem:v4+s30+$0xFFFFE6C0 ss:$0x1], $0xffff  }
0x34: {  	v6 =	vld.idx.msk [tilespmem:v4+s30+$0xFFFFFF40 ss:$0x1], $0xffff  }
0x35: {  	v7 =	vld.idx.msk [tilespmem:v4+s30+$0x17C0 ss:$0x1], $0xffff;
	_ =	sdelay $0x3  }
0x36: {  	v5 =	vshll.u32 v5, $0x5;
	v6 =	vshll.u32 v6, $0x2  }
0x37: {  	v7 =	vshrl.u32 v7, $0x1;
	v5 =	vand.u32 $0x1C00, v5;
	v6 =	vand.u32 $0x380, v6  }
0x38: {  	v7 =	vand.u32 $0x70, v7;
	v5 =	vor.u32 v6, v5  }
0x39: {  	v5 =	vor.u32 v7, v5  }
0x3a: {  	v5 =	vor.u32 v3, v5;
	_ =	sdelay $0x4  }
0x3b: {  	[tilespmem:v5+s10+$0x0] =	vst.idx.add.f32.msk $0xffff, v2  }
0x3c: {  	v5 =	vld.idx.msk [tilespmem:v4+s30+$0xFFFFFF50 ss:$0x1], $0xffff  }
0x3d: {  	v6 =	vld.idx.msk [tilespmem:v4+s30+$0xFFFFE6D0 ss:$0x1], $0xffff  }
0x3e: {  	v7 =	vld.idx.msk [tilespmem:v4+s30+$0x17D0 ss:$0x1], $0xffff;
	_ =	sdelay $0x3  }
0x3f: {  	v6 =	vshll.u32 v6, $0x5;
	v5 =	vshll.u32 v5, $0x2  }
0x40: {  	v7 =	vshrl.u32 v7, $0x1;
	v6 =	vand.u32 $0x1C00, v6;
	v5 =	vand.u32 $0x380, v5  }
0x41: {  	v7 =	vand.u32 $0x70, v7;
	v5 =	vor.u32 v5, v6  }
0x42: {  	v5 =	vor.u32 v7, v5  }
0x43: {  	v5 =	vor.u32 v3, v5  }
0x44: {  	s16 =	simm.s32 $0xFFFFE860  }
0x45: {  	v6 =	vld.idx.msk [tilespmem:v4+s16+$0xFFFFE6B0 ss:$0x1], $0xffff  }
0x46: {  	v7 =	vld.idx.msk [tilespmem:v4+s16+$0xFFFFFF30 ss:$0x1], $0xffff  }
0x47: {  	v8 =	vld.idx.msk [tilespmem:v4+s16+$0x17B0 ss:$0x1], $0xffff  }
0x48: {  	[tilespmem:v5+s10+$0x0] =	vst.idx.add.f32.msk $0xffff, v2  }
0x49: {  	v5 =	vld.idx.msk [tilespmem:v4+s30+$0xFFFFE6E0 ss:$0x1], $0xffff  }
0x4a: {  	v9 =	vld.idx.msk [tilespmem:v4+s30+$0xFFFFFF60 ss:$0x1], $0xffff  }
0x4b: {  	v6 =	vshll.u32 v6, $0x5;
	v7 =	vshll.u32 v7, $0x2;
	v10 =	vld.idx.msk [tilespmem:v4+s30+$0x17E0 ss:$0x1], $0xffff  }
0x4c: {  	v8 =	vshrl.u32 v8, $0x1;
	v6 =	vand.u32 $0x1C00, v6;
	v7 =	vand.u32 $0x380, v7  }
0x4d: {  	v8 =	vand.u32 $0x70, v8;
	v6 =	vor.u32 v7, v6  }
0x4e: {  	v6 =	vor.u32 v8, v6  }
0x4f: {  	v6 =	vor.u32 v3, v6;
	v5 =	vshll.u32 v5, $0x5;
	v7 =	vshll.u32 v9, $0x2  }
0x50: {  	v8 =	vshrl.u32 v10, $0x1;
	v5 =	vand.u32 $0x1C00, v5;
	v7 =	vand.u32 $0x380, v7  }
0x51: {  	v8 =	vand.u32 $0x70, v8;
	v5 =	vor.u32 v7, v5  }
0x52: {  	v5 =	vor.u32 v8, v5  }
0x53: {  	v5 =	vor.u32 v3, v5  }
0x54: {  	[tilespmem:v6+s10+$0x0] =	vst.idx.add.f32.msk $0xffff, v2  }
0x55: {  	v6 =	vld.idx.msk [tilespmem:v4+s16+$0xFFFFE6C0 ss:$0x1], $0xffff  }
0x56: {  	v7 =	vld.idx.msk [tilespmem:v4+s16+$0xFFFFFF40 ss:$0x1], $0xffff  }
0x57: {  	v8 =	vld.idx.msk [tilespmem:v4+s16+$0x17C0 ss:$0x1], $0xffff  }
0x58: {  	[tilespmem:v5+s10+$0x0] =	vst.idx.add.f32.msk $0xffff, v2  }
0x59: {  	v5 =	vld.idx.msk [tilespmem:v4+s30+$0xFFFFE6F0 ss:$0x1], $0xffff  }
0x5a: {  	v9 =	vld.idx.msk [tilespmem:v4+s30+$0xFFFFFF70 ss:$0x1], $0xffff  }
0x5b: {  	v6 =	vshll.u32 v6, $0x5;
	v7 =	vshll.u32 v7, $0x2;
	v10 =	vld.idx.msk [tilespmem:v4+s30+$0x17F0 ss:$0x1], $0xffff  }
0x5c: {  	v8 =	vshrl.u32 v8, $0x1;
	v6 =	vand.u32 $0x1C00, v6;
	v7 =	vand.u32 $0x380, v7  }
0x5d: {  	v8 =	vand.u32 $0x70, v8;
	v6 =	vor.u32 v7, v6  }
0x5e: {  	v6 =	vor.u32 v8, v6  }
0x5f: {  	v6 =	vor.u32 v3, v6;
	v5 =	vshll.u32 v5, $0x5;
	v7 =	vshll.u32 v9, $0x2  }
0x60: {  	v8 =	vshrl.u32 v10, $0x1;
	v5 =	vand.u32 $0x1C00, v5;
	v7 =	vand.u32 $0x380, v7  }
0x61: {  	v8 =	vand.u32 $0x70, v8;
	v5 =	vor.u32 v7, v5  }
0x62: {  	v5 =	vor.u32 v8, v5  }
0x63: {  	v5 =	vor.u32 v3, v5  }
0x64: {  	[tilespmem:v6+s10+$0x0] =	vst.idx.add.f32.msk $0xffff, v2  }
0x65: {  	v6 =	vld.idx.msk [tilespmem:v4+s16+$0xFFFFFF50 ss:$0x1], $0xffff  }
0x66: {  	v7 =	vld.idx.msk [tilespmem:v4+s16+$0xFFFFE6D0 ss:$0x1], $0xffff  }
0x67: {  	v8 =	vld.idx.msk [tilespmem:v4+s16+$0x17D0 ss:$0x1], $0xffff  }
0x68: {  	[tilespmem:v5+s10+$0x0] =	vst.idx.add.f32.msk $0xffff, v2  }
0x69: {  	v5 =	vld.idx.msk [tilespmem:v4+s30+$0xFFFFE700 ss:$0x1], $0xffff  }
0x6a: {  	v9 =	vld.idx.msk [tilespmem:v4+s30+$0xFFFFFF80 ss:$0x1], $0xffff  }
0x6b: {  	v7 =	vshll.u32 v7, $0x5;
	v6 =	vshll.u32 v6, $0x2;
	v10 =	vld.idx.msk [tilespmem:v4+s30+$0x1800 ss:$0x1], $0xffff  }
0x6c: {  	v8 =	vshrl.u32 v8, $0x1;
	v7 =	vand.u32 $0x1C00, v7;
	v6 =	vand.u32 $0x380, v6  }
0x6d: {  	v8 =	vand.u32 $0x70, v8;
	v6 =	vor.u32 v6, v7  }
0x6e: {  	s15 =	simm.s32 $0xFFFFE940;
	v6 =	vor.u32 v8, v6  }
0x6f: {  	v7 =	vld.idx.msk [tilespmem:v4+s15+$0xFFFFE6B0 ss:$0x1], $0xffff;
	v6 =	vor.u32 v3, v6;
	v5 =	vshll.u32 v5, $0x5;
	v8 =	vshll.u32 v9, $0x2  }
0x70: {  	v9 =	vld.idx.msk [tilespmem:v4+s15+$0xFFFFFF30 ss:$0x1], $0xffff;
	v10 =	vshrl.u32 v10, $0x1;
	v8 =	vand.u32 $0x380, v8;
	v5 =	vand.u32 $0x1C00, v5  }
0x71: {  	v11 =	vld.idx.msk [tilespmem:v4+s15+$0x17B0 ss:$0x1], $0xffff;
	v10 =	vand.u32 $0x70, v10;
	v5 =	vor.u32 v8, v5  }
0x72: {  	v5 =	vor.u32 v10, v5  }
0x73: {  	v5 =	vor.u32 v3, v5  }
0x74: {  	[tilespmem:v6+s10+$0x0] =	vst.idx.add.f32.msk $0xffff, v2  }
0x75: {  	v6 =	vshll.u32 v7, $0x5;
	v8 =	vld.idx.msk [tilespmem:v4+s16+$0xFFFFE6E0 ss:$0x1], $0xffff;
	v7 =	vshll.u32 v9, $0x2  }
0x76: {  	v6 =	vand.u32 $0x1C00, v6;
	v10 =	vld.idx.msk [tilespmem:v4+s16+$0xFFFFFF60 ss:$0x1], $0xffff;
	v9 =	vshrl.u32 v11, $0x1;
	v7 =	vand.u32 $0x380, v7  }
0x77: {  	v9 =	vand.u32 $0x70, v9;
	v6 =	vor.u32 v7, v6;
	v7 =	vld.idx.msk [tilespmem:v4+s16+$0x17E0 ss:$0x1], $0xffff  }
0x78: {  	v6 =	vor.u32 v9, v6;
	[tilespmem:v5+s10+$0x0] =	vst.idx.add.f32.msk $0xffff, v2  }
0x79: {  	v5 =	vor.u32 v3, v6;
	v6 =	vld.idx.msk [tilespmem:v4+s30+$0xFFFFE710 ss:$0x1], $0xffff  }
0x7a: {  	v9 =	vld.idx.msk [tilespmem:v4+s30+$0xFFFFFF90 ss:$0x1], $0xffff  }
0x7b: {  	v8 =	vshll.u32 v8, $0x5;
	v10 =	vshll.u32 v10, $0x2;
	v11 =	vld.idx.msk [tilespmem:v4+s30+$0x1810 ss:$0x1], $0xffff  }
0x7c: {  	v8 =	vand.u32 $0x1C00, v8;
	v10 =	vand.u32 $0x380, v10;
	v7 =	vshrl.u32 v7, $0x1  }
0x7d: {  	v8 =	vor.u32 v10, v8;
	v7 =	vand.u32 $0x70, v7  }
0x7e: {  	[tilespmem:v5+s10+$0x0] =	vst.idx.add.f32.msk $0xffff, v2;
	v5 =	vor.u32 v7, v8  }
0x7f: {  	v7 =	vld.idx.msk [tilespmem:v4+s15+$0xFFFFE6C0 ss:$0x1], $0xffff;
	v6 =	vshll.u32 v6, $0x5;
	v8 =	vshll.u32 v9, $0x2;
	v5 =	vor.u32 v3, v5  }
0x80: {  	v9 =	vld.idx.msk [tilespmem:v4+s15+$0xFFFFFF40 ss:$0x1], $0xffff;
	v10 =	vshrl.u32 v11, $0x1;
	v6 =	vand.u32 $0x1C00, v6;
	v8 =	vand.u32 $0x380, v8  }
0x81: {  	v10 =	vand.u32 $0x70, v10;
	v6 =	vor.u32 v8, v6  }
0x82: {  	v11 =	vld.idx.msk [tilespmem:v4+s15+$0x17C0 ss:$0x1], $0xffff;
	v6 =	vor.u32 v10, v6  }
0x83: {  	v6 =	vor.u32 v3, v6  }
0x84: {  	[tilespmem:v5+s10+$0x0] =	vst.idx.add.f32.msk $0xffff, v2  }
0x85: {  	v5 =	vshll.u32 v7, $0x5;
	v7 =	vshll.u32 v9, $0x2;
	v8 =	vld.idx.msk [tilespmem:v4+s16+$0xFFFFE6F0 ss:$0x1], $0xffff  }
0x86: {  	v5 =	vand.u32 $0x1C00, v5;
	v7 =	vand.u32 $0x380, v7;
	v10 =	vld.idx.msk [tilespmem:v4+s16+$0xFFFFFF70 ss:$0x1], $0xffff  }
0x87: {  	v9 =	vshrl.u32 v11, $0x1;
	v5 =	vor.u32 v7, v5;
	v7 =	vld.idx.msk [tilespmem:v4+s16+$0x17F0 ss:$0x1], $0xffff  }
0x88: {  	v9 =	vand.u32 $0x70, v9;
	[tilespmem:v6+s10+$0x0] =	vst.idx.add.f32.msk $0xffff, v2  }
0x89: {  	v5 =	vor.u32 v9, v5;
	v6 =	vld.idx.msk [tilespmem:v4+s30+$0xFFFFE720 ss:$0x1], $0xffff  }
0x8a: {  	v5 =	vor.u32 v3, v5;
	v9 =	vld.idx.msk [tilespmem:v4+s30+$0xFFFFFFA0 ss:$0x1], $0xffff  }
0x8b: {  	v11 =	vld.idx.msk [tilespmem:v4+s30+$0x1820 ss:$0x1], $0xffff;
	_ =	sdelay $0x1  }
0x8c: {  	v8 =	vshll.u32 v8, $0x5;
	v10 =	vshll.u32 v10, $0x2  }
0x8d: {  	v8 =	vand.u32 $0x1C00, v8;
	v10 =	vand.u32 $0x380, v10;
	v7 =	vshrl.u32 v7, $0x1  }
0x8e: {  	[tilespmem:v5+s10+$0x0] =	vst.idx.add.f32.msk $0xffff, v2;
	v5 =	vand.u32 $0x70, v7;
	v7 =	vor.u32 v10, v8;
	v6 =	vshll.u32 v6, $0x5  }
0x8f: {  	v8 =	vld.idx.msk [tilespmem:v4+s15+$0xFFFFFF50 ss:$0x1], $0xffff;
	v5 =	vor.u32 v5, v7;
	v7 =	vshll.u32 v9, $0x2;
	v10 =	vshrl.u32 v11, $0x1  }
0x90: {  	v9 =	vld.idx.msk [tilespmem:v4+s15+$0xFFFFE6D0 ss:$0x1], $0xffff;
	v6 =	vand.u32 $0x1C00, v6;
	v7 =	vand.u32 $0x380, v7;
	v5 =	vor.u32 v3, v5  }
0x91: {  	v11 =	vld.idx.msk [tilespmem:v4+s15+$0x17D0 ss:$0x1], $0xffff;
	v10 =	vand.u32 $0x70, v10;
	v6 =	vor.u32 v7, v6  }
0x92: {  	v6 =	vor.u32 v10, v6  }
0x93: {  	v6 =	vor.u32 v3, v6;
	_ =	sdelay $0x1  }
0x94: {  	v7 =	vshll.u32 v9, $0x5;
	v8 =	vshll.u32 v8, $0x2;
	[tilespmem:v5+s10+$0x0] =	vst.idx.add.f32.msk $0xffff, v2  }
0x95: {  	v5 =	vshrl.u32 v11, $0x1;
	v7 =	vand.u32 $0x1C00, v7;
	v8 =	vand.u32 $0x380, v8;
	v9 =	vld.idx.msk [tilespmem:v4+s16+$0xFFFFE700 ss:$0x1], $0xffff  }
0x96: {  	v5 =	vand.u32 $0x70, v5;
	v7 =	vor.u32 v8, v7;
	v8 =	vld.idx.msk [tilespmem:v4+s16+$0xFFFFFF80 ss:$0x1], $0xffff  }
0x97: {  	v5 =	vor.u32 v5, v7;
	[tilespmem:v6+s10+$0x0] =	vst.idx.add.f32.msk $0xffff, v2  }
0x98: {  	v5 =	vor.u32 v3, v5;
	v6 =	vld.idx.msk [tilespmem:v4+s16+$0x1800 ss:$0x1], $0xffff  }
0x99: {  	v7 =	vld.idx.msk [tilespmem:v4+s30+$0xFFFFE730 ss:$0x1], $0xffff  }
0x9a: {  	v10 =	vld.idx.msk [tilespmem:v4+s30+$0xFFFFFFB0 ss:$0x1], $0xffff  }
0x9b: {  	v11 =	vld.idx.msk [tilespmem:v4+s30+$0x1830 ss:$0x1], $0xffff;
	_ =	sdelay $0x1  }
0x9c: {  	s17 =	simm.s32 $0xFFFFEA20;
	v9 =	vshll.u32 v9, $0x5;
	v8 =	vshll.u32 v8, $0x2;
	[tilespmem:v5+s10+$0x0] =	vst.idx.add.f32.msk $0xffff, v2  }
0x9d: {  	v5 =	vand.u32 $0x380, v8;
	v6 =	vshrl.u32 v6, $0x1;
	v8 =	vand.u32 $0x1C00, v9;
	v9 =	vld.idx.msk [tilespmem:v4+s17+$0x17B0 ss:$0x1], $0xffff  }
0x9e: {  	v6 =	vand.u32 $0x70, v6;
	v7 =	vshll.u32 v7, $0x5;
	v5 =	vor.u32 v5, v8;
	v8 =	vld.idx.msk [tilespmem:v4+s17+$0xFFFFE6B0 ss:$0x1], $0xffff  }
0x9f: {  	v10 =	vshll.u32 v10, $0x2;
	v11 =	vshrl.u32 v11, $0x1;
	v5 =	vor.u32 v6, v5;
	v6 =	vld.idx.msk [tilespmem:v4+s17+$0xFFFFFF30 ss:$0x1], $0xffff  }
0xa0: {  	v12 =	vld.idx.msk [tilespmem:v4+s15+$0xFFFFE6E0 ss:$0x1], $0xffff;
	v7 =	vand.u32 $0x1C00, v7;
	v10 =	vand.u32 $0x380, v10;
	v5 =	vor.u32 v3, v5  }
0xa1: {  	v11 =	vand.u32 $0x70, v11;
	v7 =	vor.u32 v10, v7;
	v10 =	vld.idx.msk [tilespmem:v4+s15+$0xFFFFFF60 ss:$0x1], $0xffff  }
0xa2: {  	v7 =	vor.u32 v11, v7;
	v11 =	vld.idx.msk [tilespmem:v4+s15+$0x17E0 ss:$0x1], $0xffff  }
0xa3: {  	v7 =	vor.u32 v3, v7;
	v9 =	vshrl.u32 v9, $0x1  }
0xa4: {  	v8 =	vshll.u32 v8, $0x5;
	v9 =	vand.u32 $0x70, v9;
	v6 =	vshll.u32 v6, $0x2  }
0xa5: {  	[tilespmem:v5+s10+$0x0] =	vst.idx.add.f32.msk $0xffff, v2;
	v5 =	vand.u32 $0x1C00, v8;
	v6 =	vand.u32 $0x380, v6;
	v8 =	vshll.u32 v12, $0x5  }
0xa6: {  	v12 =	vld.idx.msk [tilespmem:v4+s16+$0xFFFFE710 ss:$0x1], $0xffff;
	v5 =	vor.u32 v6, v5;
	v6 =	vand.u32 $0x1C00, v8;
	v8 =	vshll.u32 v10, $0x2  }
0xa7: {  	v10 =	vld.idx.msk [tilespmem:v4+s16+$0xFFFFFF90 ss:$0x1], $0xffff;
	v5 =	vor.u32 v9, v5;
	v8 =	vand.u32 $0x380, v8;
	v9 =	vshrl.u32 v11, $0x1  }
0xa8: {  	v11 =	vld.idx.msk [tilespmem:v4+s16+$0x1810 ss:$0x1], $0xffff;
	v5 =	vor.u32 v3, v5;
	v9 =	vand.u32 $0x70, v9;
	v6 =	vor.u32 v8, v6  }
0xa9: {  	[tilespmem:v7+s10+$0x0] =	vst.idx.add.f32.msk $0xffff, v2;
	v6 =	vor.u32 v9, v6  }
0xaa: {  	v7 =	vld.idx.msk [tilespmem:v4+s30+$0xFFFFE740 ss:$0x1], $0xffff;
	v6 =	vor.u32 v3, v6  }
0xab: {  	v8 =	vld.idx.msk [tilespmem:v4+s30+$0xFFFFFFC0 ss:$0x1], $0xffff  }
0xac: {  	v9 =	vshll.u32 v12, $0x5;
	v12 =	vld.idx.msk [tilespmem:v4+s30+$0x1840 ss:$0x1], $0xffff;
	v10 =	vshll.u32 v10, $0x2  }
0xad: {  	v9 =	vand.u32 $0x1C00, v9;
	v10 =	vand.u32 $0x380, v10;
	v11 =	vshrl.u32 v11, $0x1;
	[tilespmem:v5+s10+$0x0] =	vst.idx.add.f32.msk $0xffff, v2  }
0xae: {  	v5 =	vand.u32 $0x70, v11;
	v9 =	vor.u32 v10, v9;
	v10 =	vld.idx.msk [tilespmem:v4+s17+$0xFFFFE6C0 ss:$0x1], $0xffff  }
0xaf: {  	v5 =	vor.u32 v5, v9;
	[tilespmem:v6+s10+$0x0] =	vst.idx.add.f32.msk $0xffff, v2  }
0xb0: {  	v5 =	vor.u32 v3, v5;
	v6 =	vld.idx.msk [tilespmem:v4+s17+$0xFFFFFF40 ss:$0x1], $0xffff  }
0xb1: {  	v7 =	vshll.u32 v7, $0x5;
	v8 =	vshll.u32 v8, $0x2;
	v9 =	vld.idx.msk [tilespmem:v4+s17+$0x17C0 ss:$0x1], $0xffff  }
0xb2: {  	v7 =	vand.u32 $0x1C00, v7;
	v8 =	vand.u32 $0x380, v8;
	v11 =	vshrl.u32 v12, $0x1;
	v12 =	vld.idx.msk [tilespmem:v4+s15+$0xFFFFE6F0 ss:$0x1], $0xffff  }
0xb3: {  	v7 =	vor.u32 v8, v7;
	v8 =	vld.idx.msk [tilespmem:v4+s15+$0xFFFFFF70 ss:$0x1], $0xffff;
	v11 =	vand.u32 $0x70, v11  }
0xb4: {  	v7 =	vor.u32 v11, v7;
	v11 =	vld.idx.msk [tilespmem:v4+s15+$0x17F0 ss:$0x1], $0xffff  }
0xb5: {  	v10 =	vshll.u32 v10, $0x5;
	v7 =	vor.u32 v3, v7;
	[tilespmem:v5+s10+$0x0] =	vst.idx.add.f32.msk $0xffff, v2;
	v5 =	vshll.u32 v6, $0x2  }
0xb6: {  	v6 =	vshrl.u32 v9, $0x1;
	v10 =	vand.u32 $0x1C00, v10;
	v9 =	vld.idx.msk [tilespmem:v4+s16+$0xFFFFE720 ss:$0x1], $0xffff;
	v5 =	vand.u32 $0x380, v5  }
0xb7: {  	v6 =	vand.u32 $0x70, v6;
	v13 =	vld.idx.msk [tilespmem:v4+s16+$0xFFFFFFA0 ss:$0x1], $0xffff;
	v5 =	vor.u32 v5, v10  }
0xb8: {  	v10 =	vld.idx.msk [tilespmem:v4+s16+$0x1820 ss:$0x1], $0xffff;
	v5 =	vor.u32 v6, v5  }
0xb9: {  	v8 =	vshll.u32 v8, $0x2;
	v6 =	vshll.u32 v12, $0x5;
	v5 =	vor.u32 v3, v5  }
0xba: {  	v6 =	vand.u32 $0x1C00, v6;
	[tilespmem:v7+s10+$0x0] =	vst.idx.add.f32.msk $0xffff, v2;
	v7 =	vand.u32 $0x380, v8;
	v8 =	vshrl.u32 v11, $0x1  }
0xbb: {  	v11 =	vld.idx.msk [tilespmem:v4+s30+$0xFFFFE750 ss:$0x1], $0xffff;
	v8 =	vand.u32 $0x70, v8;
	v6 =	vor.u32 v7, v6;
	v7 =	vshll.u32 v9, $0x5  }
0xbc: {  	v9 =	vld.idx.msk [tilespmem:v4+s30+$0xFFFFFFD0 ss:$0x1], $0xffff;
	v6 =	vor.u32 v8, v6;
	v8 =	vshll.u32 v13, $0x2;
	v7 =	vand.u32 $0x1C00, v7  }
0xbd: {  	v12 =	vld.idx.msk [tilespmem:v4+s30+$0x1850 ss:$0x1], $0xffff;
	v8 =	vand.u32 $0x380, v8;
	v10 =	vshrl.u32 v10, $0x1;
	v6 =	vor.u32 v3, v6  }
0xbe: {  	v10 =	vand.u32 $0x70, v10;
	v7 =	vor.u32 v8, v7;
	[tilespmem:v5+s10+$0x0] =	vst.idx.add.f32.msk $0xffff, v2  }
0xbf: {  	v5 =	vor.u32 v10, v7;
	v7 =	vld.idx.msk [tilespmem:v4+s17+$0xFFFFFF50 ss:$0x1], $0xffff  }
0xc0: {  	v5 =	vor.u32 v3, v5;
	v8 =	vld.idx.msk [tilespmem:v4+s17+$0xFFFFE6D0 ss:$0x1], $0xffff  }
0xc1: {  	v10 =	vshll.u32 v11, $0x5;
	v11 =	vld.idx.msk [tilespmem:v4+s17+$0x17D0 ss:$0x1], $0xffff;
	v9 =	vshll.u32 v9, $0x2  }
0xc2: {  	v12 =	vshrl.u32 v12, $0x1;
	v10 =	vand.u32 $0x1C00, v10;
	v9 =	vand.u32 $0x380, v9;
	[tilespmem:v6+s10+$0x0] =	vst.idx.add.f32.msk $0xffff, v2  }
0xc3: {  	v6 =	vand.u32 $0x70, v12;
	v9 =	vor.u32 v9, v10;
	v10 =	vld.idx.msk [tilespmem:v4+s15+$0xFFFFE700 ss:$0x1], $0xffff  }
0xc4: {  	v6 =	vor.u32 v6, v9;
	v9 =	vld.idx.msk [tilespmem:v4+s15+$0xFFFFFF80 ss:$0x1], $0xffff  }
0xc5: {  	[tilespmem:v5+s10+$0x0] =	vst.idx.add.f32.msk $0xffff, v2;
	v5 =	vor.u32 v3, v6;
	v6 =	vshll.u32 v8, $0x5;
	v7 =	vshll.u32 v7, $0x2  }
0xc6: {  	v8 =	vshrl.u32 v11, $0x1;
	v11 =	vld.idx.msk [tilespmem:v4+s15+$0x1800 ss:$0x1], $0xffff;
	v6 =	vand.u32 $0x1C00, v6;
	v7 =	vand.u32 $0x380, v7  }
0xc7: {  	v8 =	vand.u32 $0x70, v8;
	v12 =	vld.idx.msk [tilespmem:v4+s16+$0xFFFFE730 ss:$0x1], $0xffff;
	v6 =	vor.u32 v7, v6  }
0xc8: {  	v7 =	vld.idx.msk [tilespmem:v4+s16+$0xFFFFFFB0 ss:$0x1], $0xffff;
	v6 =	vor.u32 v8, v6  }
0xc9: {  	v8 =	vld.idx.msk [tilespmem:v4+s16+$0x1830 ss:$0x1], $0xffff;
	v6 =	vor.u32 v3, v6  }
0xca: {  	[tilespmem:v5+s10+$0x0] =	vst.idx.add.f32.msk $0xffff, v2  }
0xcb: {  	v5 =	vld.idx.msk [tilespmem:v4+s30+$0xFFFFE760 ss:$0x1], $0xffff  }
0xcc: {  	v10 =	vshll.u32 v10, $0x5;
	v9 =	vshll.u32 v9, $0x2;
	v13 =	vld.idx.msk [tilespmem:v4+s30+$0xFFFFFFE0 ss:$0x1], $0xffff  }
0xcd: {  	v10 =	vand.u32 $0x1C00, v10;
	v9 =	vand.u32 $0x380, v9;
	v11 =	vshrl.u32 v11, $0x1;
	v14 =	vld.idx.msk [tilespmem:v4+s30+$0x1860 ss:$0x1], $0xffff  }
0xce: {  	s18 =	simm.s32 $0xFFFFEB00;
	v11 =	vand.u32 $0x70, v11;
	[tilespmem:v6+s10+$0x0] =	vst.idx.add.f32.msk $0xffff, v2;
	v6 =	vor.u32 v9, v10  }
0xcf: {  	v9 =	vld.idx.msk [tilespmem:v4+s18+$0x17B0 ss:$0x1], $0xffff;
	v6 =	vor.u32 v11, v6  }
0xd0: {  	v7 =	vshll.u32 v7, $0x2;
	v10 =	vshll.u32 v12, $0x5;
	v12 =	vld.idx.msk [tilespmem:v4+s18+$0xFFFFFF30 ss:$0x1], $0xffff;
	v6 =	vor.u32 v3, v6  }
0xd1: {  	v7 =	vand.u32 $0x380, v7;
	v8 =	vshrl.u32 v8, $0x1;
	v11 =	vld.idx.msk [tilespmem:v4+s18+$0xFFFFE6B0 ss:$0x1], $0xffff;
	v10 =	vand.u32 $0x1C00, v10  }
0xd2: {  	v8 =	vand.u32 $0x70, v8;
	v15 =	vld.idx.msk [tilespmem:v4+s17+$0x17E0 ss:$0x1], $0xffff;
	v7 =	vor.u32 v7, v10  }
0xd3: {  	v10 =	vld.idx.msk [tilespmem:v4+s17+$0xFFFFE6E0 ss:$0x1], $0xffff;
	v7 =	vor.u32 v8, v7  }
0xd4: {  	v5 =	vshll.u32 v5, $0x5;
	v13 =	vshll.u32 v13, $0x2;
	v8 =	vld.idx.msk [tilespmem:v4+s17+$0xFFFFFF60 ss:$0x1], $0xffff;
	v7 =	vor.u32 v3, v7  }
0xd5: {  	v14 =	vshrl.u32 v14, $0x1;
	v5 =	vand.u32 $0x1C00, v5;
	v13 =	vand.u32 $0x380, v13;
	[tilespmem:v6+s10+$0x0] =	vst.idx.add.f32.msk $0xffff, v2  }
0xd6: {  	v5 =	vor.u32 v13, v5;
	v12 =	vshll.u32 v12, $0x2;
	v6 =	vand.u32 $0x70, v14;
	v13 =	vld.idx.msk [tilespmem:v4+s15+$0xFFFFE710 ss:$0x1], $0xffff  }
0xd7: {  	v5 =	vor.u32 v6, v5;
	v6 =	vshrl.u32 v9, $0x1;
	v9 =	vshll.u32 v11, $0x5;
	v11 =	vld.idx.msk [tilespmem:v4+s15+$0xFFFFFF90 ss:$0x1], $0xffff  }
0xd8: {  	v12 =	vand.u32 $0x380, v12;
	v14 =	vld.idx.msk [tilespmem:v4+s15+$0x1810 ss:$0x1], $0xffff;
	v5 =	vor.u32 v3, v5  }
0xd9: {  	v10 =	vshll.u32 v10, $0x5;
	v8 =	vshll.u32 v8, $0x2;
	v9 =	vand.u32 $0x1C00, v9;
	[tilespmem:v7+s10+$0x0] =	vst.idx.add.f32.msk $0xffff, v2  }
0xda: {  	v6 =	vand.u32 $0x70, v6;
	v7 =	vor.u32 v12, v9;
	v9 =	vand.u32 $0x1C00, v10;
	v10 =	vld.idx.msk [tilespmem:v4+s16+$0xFFFFE740 ss:$0x1], $0xffff  }
0xdb: {  	v12 =	vld.idx.msk [tilespmem:v4+s16+$0xFFFFFFC0 ss:$0x1], $0xffff;
	v6 =	vor.u32 v6, v7;
	v7 =	vand.u32 $0x380, v8;
	v8 =	vshrl.u32 v15, $0x1  }
0xdc: {  	v6 =	vor.u32 v3, v6;
	v8 =	vand.u32 $0x70, v8;
	v7 =	vor.u32 v7, v9;
	v9 =	vld.idx.msk [tilespmem:v4+s16+$0x1840 ss:$0x1], $0xffff  }
0xdd: {  	v7 =	vor.u32 v8, v7;
	[tilespmem:v5+s10+$0x0] =	vst.idx.add.f32.msk $0xffff, v2  }
0xde: {  	v5 =	vor.u32 v3, v7;
	v7 =	vld.idx.msk [tilespmem:v4+s30+$0xFFFFE770 ss:$0x1], $0xffff  }
0xdf: {  	v8 =	vld.idx.msk [tilespmem:v4+s30+$0xFFFFFFF0 ss:$0x1], $0xffff  }
0xe0: {  	v13 =	vshll.u32 v13, $0x5;
	v11 =	vshll.u32 v11, $0x2;
	v15 =	vld.idx.msk [tilespmem:v4+s30+$0x1870 ss:$0x1], $0xffff  }
0xe1: {  	v14 =	vshrl.u32 v14, $0x1;
	v13 =	vand.u32 $0x1C00, v13;
	v11 =	vand.u32 $0x380, v11;
	[tilespmem:v6+s10+$0x0] =	vst.idx.add.f32.msk $0xffff, v2  }
0xe2: {  	v11 =	vor.u32 v11, v13;
	v6 =	vand.u32 $0x70, v14;
	v13 =	vld.idx.msk [tilespmem:v4+s18+$0xFFFFE6C0 ss:$0x1], $0xffff  }
0xe3: {  	v6 =	vor.u32 v6, v11;
	v11 =	vld.idx.msk [tilespmem:v4+s18+$0x17C0 ss:$0x1], $0xffff  }
0xe4: {  	[tilespmem:v5+s10+$0x0] =	vst.idx.add.f32.msk $0xffff, v2;
	v5 =	vshll.u32 v10, $0x5;
	v10 =	vshll.u32 v12, $0x2;
	v6 =	vor.u32 v3, v6  }
0xe5: {  	v9 =	vshrl.u32 v9, $0x1;
	v12 =	vld.idx.msk [tilespmem:v4+s18+$0xFFFFFF40 ss:$0x1], $0xffff;
	v5 =	vand.u32 $0x1C00, v5;
	v10 =	vand.u32 $0x380, v10  }
0xe6: {  	v9 =	vand.u32 $0x70, v9;
	v14 =	vld.idx.msk [tilespmem:v4+s17+$0x17F0 ss:$0x1], $0xffff;
	v5 =	vor.u32 v10, v5  }
0xe7: {  	v10 =	vld.idx.msk [tilespmem:v4+s17+$0xFFFFE6F0 ss:$0x1], $0xffff;
	v5 =	vor.u32 v9, v5  }
0xe8: {  	v7 =	vshll.u32 v7, $0x5;
	v8 =	vshll.u32 v8, $0x2;
	v9 =	vld.idx.msk [tilespmem:v4+s17+$0xFFFFFF70 ss:$0x1], $0xffff;
	v5 =	vor.u32 v3, v5  }
0xe9: {  	v15 =	vshrl.u32 v15, $0x1;
	v7 =	vand.u32 $0x1C00, v7;
	v8 =	vand.u32 $0x380, v8;
	[tilespmem:v6+s10+$0x0] =	vst.idx.add.f32.msk $0xffff, v2  }
0xea: {  	v7 =	vor.u32 v8, v7;
	v8 =	vshll.u32 v13, $0x5;
	v6 =	vand.u32 $0x70, v15;
	v13 =	vld.idx.msk [tilespmem:v4+s15+$0xFFFFE720 ss:$0x1], $0xffff  }
0xeb: {  	v6 =	vor.u32 v6, v7;
	v7 =	vshrl.u32 v11, $0x1;
	v11 =	vshll.u32 v12, $0x2;
	v12 =	vld.idx.msk [tilespmem:v4+s15+$0xFFFFFFA0 ss:$0x1], $0xffff  }
0xec: {  	v8 =	vand.u32 $0x1C00, v8;
	v15 =	vld.idx.msk [tilespmem:v4+s15+$0x1820 ss:$0x1], $0xffff;
	v6 =	vor.u32 v3, v6;
	v11 =	vand.u32 $0x380, v11  }
0xed: {  	v7 =	vand.u32 $0x70, v7;
	v8 =	vor.u32 v11, v8;
	[tilespmem:v5+s10+$0x0] =	vst.idx.add.f32.msk $0xffff, v2  }
0xee: {  	v5 =	vor.u32 v7, v8;
	v8 =	vld.idx.msk [tilespmem:v4+s16+$0xFFFFE750 ss:$0x1], $0xffff  }
0xef: {  	v9 =	vshll.u32 v9, $0x2;
	v7 =	vshll.u32 v10, $0x5;
	v5 =	vor.u32 v3, v5;
	v10 =	vld.idx.msk [tilespmem:v4+s16+$0xFFFFFFD0 ss:$0x1], $0xffff  }
0xf0: {  	v11 =	vshrl.u32 v14, $0x1;
	v9 =	vand.u32 $0x380, v9;
	v7 =	vand.u32 $0x1C00, v7;
	v14 =	vld.idx.msk [tilespmem:v4+s16+$0x1850 ss:$0x1], $0xffff  }
0xf1: {  	v11 =	vand.u32 $0x70, v11;
	v7 =	vor.u32 v9, v7;
	v9 =	vshll.u32 v13, $0x5;
	[tilespmem:v6+s10+$0x0] =	vst.idx.add.f32.msk $0xffff, v2  }
0xf2: {  	v7 =	vor.u32 v11, v7;
	v11 =	vshll.u32 v12, $0x2;
	v9 =	vand.u32 $0x1C00, v9;
	v6 =	vld.idx.msk [tilespmem:v4+s30+$0xFFFFE780 ss:$0x1], $0xffff  }
0xf3: {  	v12 =	vshrl.u32 v15, $0x1;
	v11 =	vand.u32 $0x380, v11;
	v13 =	vor.u32 v3, v7;
	v7 =	vld.idx.msk [tilespmem:v4+s30+$0x0 ss:$0x1], $0xffff  }
0xf4: {  	v12 =	vand.u32 $0x70, v12;
	v9 =	vor.u32 v11, v9;
	[tilespmem:v5+s10+$0x0] =	vst.idx.add.f32.msk $0xffff, v2  }
0xf5: {  	v5 =	vor.u32 v12, v9;
	v9 =	vld.idx.msk [tilespmem:v4+s18+$0x17D0 ss:$0x1], $0xffff  }
0xf6: {  	v11 =	vld.idx.msk [tilespmem:v4+s18+$0xFFFFFF50 ss:$0x1], $0xffff;
	v5 =	vor.u32 v3, v5  }
0xf7: {  	v8 =	vshll.u32 v8, $0x5;
	v10 =	vshll.u32 v10, $0x2;
	v12 =	vld.idx.msk [tilespmem:v4+s18+$0xFFFFE6D0 ss:$0x1], $0xffff  }
0xf8: {  	v14 =	vshrl.u32 v14, $0x1;
	v8 =	vand.u32 $0x1C00, v8;
	v10 =	vand.u32 $0x380, v10;
	[tilespmem:v13+s10+$0x0] =	vst.idx.add.f32.msk $0xffff, v2  }
0xf9: {  	v8 =	vor.u32 v10, v8;
	v13 =	vand.u32 $0x70, v14;
	v10 =	vld.idx.msk [tilespmem:v4+s17+$0xFFFFE700 ss:$0x1], $0xffff  }
0xfa: {  	v8 =	vor.u32 v13, v8;
	v13 =	vld.idx.msk [tilespmem:v4+s17+$0xFFFFFF80 ss:$0x1], $0xffff  }
0xfb: {  	[tilespmem:v5+s10+$0x0] =	vst.idx.add.f32.msk $0xffff, v2;
	v5 =	vor.u32 v3, v8  }
0xfc: {  	v8 =	vld.idx.msk [tilespmem:v4+s17+$0x1800 ss:$0x1], $0xffff;
	v12 =	vshll.u32 v12, $0x5;
	v11 =	vshll.u32 v11, $0x2  }
0xfd: {  	v9 =	vshrl.u32 v9, $0x1;
	v14 =	vld.idx.msk [tilespmem:v4+s15+$0xFFFFE730 ss:$0x1], $0xffff;
	v12 =	vand.u32 $0x1C00, v12;
	v11 =	vand.u32 $0x380, v11  }
0xfe: {  	v9 =	vand.u32 $0x70, v9;
	v15 =	vld.idx.msk [tilespmem:v4+s15+$0xFFFFFFB0 ss:$0x1], $0xffff;
	v11 =	vor.u32 v11, v12  }
0xff: {  	v12 =	vld.idx.msk [tilespmem:v4+s15+$0x1830 ss:$0x1], $0xffff;
	v9 =	vor.u32 v9, v11  }
0x100: {  	[tilespmem:v5+s10+$0x0] =	vst.idx.add.f32.msk $0xffff, v2;
	v5 =	vor.u32 v3, v9  }
0x101: {  	v17 =	vshrl.u32 v8, $0x1;
	v8 =	vld.idx.msk [tilespmem:v4+s30+$0x1880 ss:$0x1], $0xffff  }
0x102: {  	v9 =	vld.idx.msk [tilespmem:v4+s16+$0xFFFFE760 ss:$0x1], $0xffff  }
0x103: {  	v10 =	vshll.u32 v10, $0x5;
	v13 =	vshll.u32 v13, $0x2;
	v11 =	vld.idx.msk [tilespmem:v4+s16+$0xFFFFFFE0 ss:$0x1], $0xffff  }
0x104: {  	v13 =	vand.u32 $0x380, v13;
	v10 =	vand.u32 $0x1C00, v10;
	v16 =	vld.idx.msk [tilespmem:v4+s16+$0x1860 ss:$0x1], $0xffff  }
0x105: {  	s19 =	simm.s32 $0xFFFFEBE0;
	v17 =	vand.u32 $0x70, v17;
	[tilespmem:v5+s10+$0x0] =	vst.idx.add.f32.msk $0xffff, v2;
	v5 =	vor.u32 v13, v10  }
0x106: {  	v10 =	vld.idx.msk [tilespmem:v4+s19+$0x17B0 ss:$0x1], $0xffff;
	v5 =	vor.u32 v17, v5  }
0x107: {  	v13 =	vshll.u32 v14, $0x5;
	v14 =	vshll.u32 v15, $0x2;
	v15 =	vld.idx.msk [tilespmem:v4+s19+$0xFFFFE6B0 ss:$0x1], $0xffff;
	v5 =	vor.u32 v3, v5  }
0x108: {  	v12 =	vshrl.u32 v12, $0x1;
	v13 =	vand.u32 $0x1C00, v13;
	v14 =	vand.u32 $0x380, v14;
	v17 =	vld.idx.msk [tilespmem:v4+s19+$0xFFFFFF30 ss:$0x1], $0xffff  }
0x109: {  	v12 =	vand.u32 $0x70, v12;
	v18 =	vld.idx.msk [tilespmem:v4+s18+$0x17E0 ss:$0x1], $0xffff;
	v13 =	vor.u32 v14, v13  }
0x10a: {  	v14 =	vld.idx.msk [tilespmem:v4+s18+$0xFFFFE6E0 ss:$0x1], $0xffff;
	v12 =	vor.u32 v12, v13  }
0x10b: {  	v9 =	vshll.u32 v9, $0x5;
	v11 =	vshll.u32 v11, $0x2;
	v13 =	vld.idx.msk [tilespmem:v4+s18+$0xFFFFFF60 ss:$0x1], $0xffff;
	v12 =	vor.u32 v3, v12  }
0x10c: {  	v16 =	vshrl.u32 v16, $0x1;
	v9 =	vand.u32 $0x1C00, v9;
	v11 =	vand.u32 $0x380, v11;
	[tilespmem:v5+s10+$0x0] =	vst.idx.add.f32.msk $0xffff, v2  }
0x10d: {  	v9 =	vor.u32 v11, v9;
	v5 =	vand.u32 $0x70, v16;
	v11 =	vld.idx.msk [tilespmem:v4+s17+$0xFFFFE710 ss:$0x1], $0xffff  }
0x10e: {  	v5 =	vor.u32 v5, v9;
	v9 =	vshrl.u32 v10, $0x1;
	v10 =	vshll.u32 v15, $0x5;
	v15 =	vld.idx.msk [tilespmem:v4+s17+$0xFFFFFF90 ss:$0x1], $0xffff  }
0x10f: {  	v16 =	vshll.u32 v17, $0x2;
	v14 =	vshll.u32 v14, $0x5;
	v17 =	vld.idx.msk [tilespmem:v4+s17+$0x1810 ss:$0x1], $0xffff;
	v5 =	vor.u32 v3, v5  }
0x110: {  	v16 =	vand.u32 $0x380, v16;
	v13 =	vshll.u32 v13, $0x2;
	v10 =	vand.u32 $0x1C00, v10;
	[tilespmem:v12+s10+$0x0] =	vst.idx.add.f32.msk $0xffff, v2  }
0x111: {  	v9 =	vand.u32 $0x70, v9;
	v12 =	vand.u32 $0x1C00, v14;
	v10 =	vor.u32 v16, v10;
	v14 =	vld.idx.msk [tilespmem:v4+s15+$0xFFFFE740 ss:$0x1], $0xffff  }
0x112: {  	v16 =	vld.idx.msk [tilespmem:v4+s15+$0xFFFFFFC0 ss:$0x1], $0xffff;
	v9 =	vor.u32 v9, v10;
	v10 =	vand.u32 $0x380, v13;
	v13 =	vshrl.u32 v18, $0x1  }
0x113: {  	v9 =	vor.u32 v3, v9;
	v13 =	vand.u32 $0x70, v13;
	v10 =	vor.u32 v10, v12;
	v12 =	vld.idx.msk [tilespmem:v4+s15+$0x1840 ss:$0x1], $0xffff  }
0x114: {  	v10 =	vor.u32 v13, v10;
	[tilespmem:v5+s10+$0x0] =	vst.idx.add.f32.msk $0xffff, v2  }
0x115: {  	v5 =	vor.u32 v3, v10;
	v10 =	vld.idx.msk [tilespmem:v4+s16+$0xFFFFE770 ss:$0x1], $0xffff  }
0x116: {  	v13 =	vld.idx.msk [tilespmem:v4+s16+$0xFFFFFFF0 ss:$0x1], $0xffff  }
0x117: {  	v11 =	vshll.u32 v11, $0x5;
	v15 =	vshll.u32 v15, $0x2;
	v18 =	vld.idx.msk [tilespmem:v4+s16+$0x1870 ss:$0x1], $0xffff  }
0x118: {  	v17 =	vshrl.u32 v17, $0x1;
	v11 =	vand.u32 $0x1C00, v11;
	v15 =	vand.u32 $0x380, v15;
	[tilespmem:v9+s10+$0x0] =	vst.idx.add.f32.msk $0xffff, v2  }
0x119: {  	v11 =	vor.u32 v15, v11;
	v9 =	vand.u32 $0x70, v17;
	v15 =	vld.idx.msk [tilespmem:v4+s19+$0xFFFFE6C0 ss:$0x1], $0xffff  }
0x11a: {  	v9 =	vor.u32 v9, v11;
	v11 =	vshll.u32 v16, $0x2;
	v16 =	vld.idx.msk [tilespmem:v4+s19+$0xFFFFFF40 ss:$0x1], $0xffff  }
0x11b: {  	[tilespmem:v5+s10+$0x0] =	vst.idx.add.f32.msk $0xffff, v2;
	v5 =	vshll.u32 v14, $0x5;
	v9 =	vor.u32 v3, v9  }
0x11c: {  	v12 =	vshrl.u32 v12, $0x1;
	v14 =	vld.idx.msk [tilespmem:v4+s19+$0x17C0 ss:$0x1], $0xffff;
	v11 =	vand.u32 $0x380, v11;
	v5 =	vand.u32 $0x1C00, v5  }
0x11d: {  	v12 =	vand.u32 $0x70, v12;
	v17 =	vld.idx.msk [tilespmem:v4+s18+$0x17F0 ss:$0x1], $0xffff;
	v5 =	vor.u32 v11, v5  }
0x11e: {  	v11 =	vld.idx.msk [tilespmem:v4+s18+$0xFFFFE6F0 ss:$0x1], $0xffff;
	v5 =	vor.u32 v12, v5  }
0x11f: {  	v10 =	vshll.u32 v10, $0x5;
	v13 =	vshll.u32 v13, $0x2;
	v12 =	vld.idx.msk [tilespmem:v4+s18+$0xFFFFFF70 ss:$0x1], $0xffff;
	v5 =	vor.u32 v3, v5  }
0x120: {  	v18 =	vshrl.u32 v18, $0x1;
	v10 =	vand.u32 $0x1C00, v10;
	v13 =	vand.u32 $0x380, v13;
	[tilespmem:v9+s10+$0x0] =	vst.idx.add.f32.msk $0xffff, v2  }
0x121: {  	v10 =	vor.u32 v13, v10;
	v13 =	vshll.u32 v15, $0x5;
	v9 =	vand.u32 $0x70, v18;
	v15 =	vld.idx.msk [tilespmem:v4+s17+$0xFFFFE720 ss:$0x1], $0xffff  }
0x122: {  	v9 =	vor.u32 v9, v10;
	v10 =	vshrl.u32 v14, $0x1;
	v14 =	vshll.u32 v16, $0x2;
	v16 =	vld.idx.msk [tilespmem:v4+s17+$0xFFFFFFA0 ss:$0x1], $0xffff  }
0x123: {  	v13 =	vand.u32 $0x1C00, v13;
	v18 =	vld.idx.msk [tilespmem:v4+s17+$0x1820 ss:$0x1], $0xffff;
	v9 =	vor.u32 v3, v9;
	v14 =	vand.u32 $0x380, v14  }
0x124: {  	v10 =	vand.u32 $0x70, v10;
	v13 =	vor.u32 v14, v13;
	[tilespmem:v5+s10+$0x0] =	vst.idx.add.f32.msk $0xffff, v2  }
0x125: {  	v5 =	vor.u32 v10, v13;
	v10 =	vld.idx.msk [tilespmem:v4+s15+$0xFFFFE750 ss:$0x1], $0xffff  }
0x126: {  	v11 =	vshll.u32 v11, $0x5;
	v12 =	vshll.u32 v12, $0x2;
	v13 =	vor.u32 v3, v5;
	v14 =	vld.idx.msk [tilespmem:v4+s15+$0xFFFFFFD0 ss:$0x1], $0xffff  }
0x127: {  	v5 =	vand.u32 $0x1C00, v11;
	v11 =	vand.u32 $0x380, v12;
	v12 =	vshrl.u32 v17, $0x1;
	v17 =	vld.idx.msk [tilespmem:v4+s15+$0x1850 ss:$0x1], $0xffff  }
0x128: {  	v5 =	vor.u32 v11, v5;
	v11 =	vand.u32 $0x70, v12;
	[tilespmem:v9+s10+$0x0] =	vst.idx.add.f32.msk $0xffff, v2  }
0x129: {  	v9 =	vor.u32 v11, v5;
	v5 =	vld.idx.msk [tilespmem:v4+s16+$0xFFFFE780 ss:$0x1], $0xffff  }
0x12a: {  	v12 =	vshll.u32 v15, $0x5;
	v11 =	vshll.u32 v16, $0x2;
	v9 =	vor.u32 v3, v9;
	v16 =	vld.idx.msk [tilespmem:v4+s16+$0x0 ss:$0x1], $0xffff  }
0x12b: {  	v15 =	vshrl.u32 v18, $0x1;
	v12 =	vand.u32 $0x1C00, v12;
	v11 =	vand.u32 $0x380, v11;
	[tilespmem:v13+s10+$0x0] =	vst.idx.add.f32.msk $0xffff, v2  }
0x12c: {  	v15 =	vand.u32 $0x70, v15;
	v11 =	vor.u32 v11, v12;
	v13 =	vld.idx.msk [tilespmem:v4+s19+$0x17D0 ss:$0x1], $0xffff  }
0x12d: {  	v11 =	vor.u32 v15, v11;
	v12 =	vld.idx.msk [tilespmem:v4+s19+$0xFFFFFF50 ss:$0x1], $0xffff  }
0x12e: {  	v10 =	vshll.u32 v10, $0x5;
	v14 =	vshll.u32 v14, $0x2;
	v11 =	vor.u32 v3, v11;
	v15 =	vld.idx.msk [tilespmem:v4+s19+$0xFFFFE6D0 ss:$0x1], $0xffff  }
0x12f: {  	v17 =	vshrl.u32 v17, $0x1;
	v10 =	vand.u32 $0x1C00, v10;
	v14 =	vand.u32 $0x380, v14;
	[tilespmem:v9+s10+$0x0] =	vst.idx.add.f32.msk $0xffff, v2  }
0x130: {  	v7 =	vshll.u32 v7, $0x2;
	v10 =	vor.u32 v14, v10;
	v9 =	vand.u32 $0x70, v17;
	v14 =	vld.idx.msk [tilespmem:v4+s18+$0xFFFFE700 ss:$0x1], $0xffff  }
0x131: {  	v6 =	vshll.u32 v6, $0x5;
	v7 =	vand.u32 $0x380, v7;
	v9 =	vor.u32 v9, v10;
	v10 =	vld.idx.msk [tilespmem:v4+s18+$0xFFFFFF80 ss:$0x1], $0xffff  }
0x132: {  	v6 =	vand.u32 $0x1C00, v6;
	v8 =	vshrl.u32 v8, $0x1;
	v18 =	vld.idx.msk [tilespmem:v4+s18+$0x1800 ss:$0x1], $0xffff;
	v9 =	vor.u32 v3, v9  }
0x133: {  	v6 =	vor.u32 v7, v6;
	v8 =	vand.u32 $0x70, v8;
	[tilespmem:v11+s10+$0x0] =	vst.idx.add.f32.msk $0xffff, v2  }
0x134: {  	v7 =	vor.u32 v8, v6;
	v8 =	vshll.u32 v15, $0x5;
	v11 =	vshll.u32 v12, $0x2;
	v19 =	vld.idx.msk [tilespmem:v4+s17+$0xFFFFE730 ss:$0x1], $0xffff  }
0x135: {  	v13 =	vshrl.u32 v13, $0x1;
	v12 =	vld.idx.msk [tilespmem:v4+s17+$0xFFFFFFB0 ss:$0x1], $0xffff;
	v8 =	vand.u32 $0x1C00, v8;
	v15 =	vand.u32 $0x380, v11  }
0x136: {  	v11 =	vld.idx.msk [tilespmem:v4+s17+$0x1830 ss:$0x1], $0xffff;
	v13 =	vand.u32 $0x70, v13;
	v8 =	vor.u32 v15, v8  }
0x137: {  	v7 =	vor.u32 v3, v7;
	v6 =	vshll.u32 v16, $0x2;
	[tilespmem:v9+s10+$0x0] =	vst.idx.add.f32.msk $0xffff, v2;
	v9 =	vor.u32 v13, v8  }
0x138: {  	v6 =	vand.u32 $0x380, v6;
	v8 =	vld.idx.msk [tilespmem:v4+s15+$0xFFFFE760 ss:$0x1], $0xffff;
	v17 =	vor.u32 v3, v9  }
0x139: {  	v14 =	vshll.u32 v14, $0x5;
	v13 =	vshll.u32 v10, $0x2;
	v9 =	vshrl.u32 v18, $0x1;
	v10 =	vld.idx.msk [tilespmem:v4+s15+$0xFFFFFFE0 ss:$0x1], $0xffff  }
0x13a: {  	s20 =	simm.s32 $0xFFFFB300;
	v16 =	vand.u32 $0x380, v13;
	v15 =	vand.u32 $0x70, v9;
	v13 =	vshll.u32 v19, $0x5;
	v9 =	vld.idx.msk [tilespmem:v4+s15+$0x1860 ss:$0x1], $0xffff  }
.LBB2_5:
0x13b: {  	s21 =	sshra.s32 s20, $0x2;
	p1 =	sne.s32 s20, $0xFFFFFC80;
	s20 =	sadd.s32 $0x380, s20;
	v13 =	vand.u32 $0x1C00, v13;
	v12 =	vshll.u32 v12, $0x2;
	v18 =	vld.idx.msk [tilespmem:v4+s16+$0x1880 ss:$0x1], $0xffff;
	v5 =	vshll.u32 v5, $0x5  }
0x13c: {  	v14 =	vand.u32 $0x1C00, v14;
	v11 =	vshrl.u32 v11, $0x1;
	s16 =	smov.u32 s15;
	s15 =	smov.u32 s17;
	s17 =	smov.u32 s18;
	v12 =	vand.u32 $0x380, v12;
	[tilespmem:v7+s10+$0x0] =	vst.idx.add.f32.msk $0xffff, v2  }
0x13d: {  	s18 =	smov.u32 s19;
	v7 =	vor.u32 v16, v14;
	v11 =	vand.u32 $0x70, v11;
	s19 =	smov.u32 s21;
	[tilespmem:v17+s10+$0x0] =	vst.idx.add.f32.msk $0xffff, v2;
	v12 =	vor.u32 v12, v13  }
0x13e: {  	v7 =	vor.u32 v15, v7;
	v8 =	vshll.u32 v8, $0x5;
	v13 =	vld.idx.msk [tilespmem:v4+s19+$0x17B0 ss:$0x1], $0xffff;
	v11 =	vor.u32 v11, v12  }
0x13f: {  	v5 =	vand.u32 $0x1C00, v5;
	v14 =	vor.u32 v3, v7;
	v7 =	vshll.u32 v10, $0x2;
	v12 =	vld.idx.msk [tilespmem:v4+s19+$0xFFFFE6B0 ss:$0x1], $0xffff  }
0x140: {  	v8 =	vand.u32 $0x1C00, v8;
	v7 =	vand.u32 $0x380, v7;
	v9 =	vshrl.u32 v9, $0x1;
	v10 =	vld.idx.msk [tilespmem:v4+s19+$0xFFFFFF30 ss:$0x1], $0xffff  }
0x141: {  	v9 =	vand.u32 $0x70, v9;
	v7 =	vor.u32 v7, v8;
	v8 =	vshrl.u32 v18, $0x1;
	v15 =	vld.idx.msk [tilespmem:v4+s18+$0xFFFFE6E0 ss:$0x1], $0xffff  }
0x142: {  	v5 =	vor.u32 v6, v5;
	v9 =	vor.u32 v9, v7;
	v7 =	vand.u32 $0x70, v8;
	v16 =	vld.idx.msk [tilespmem:v4+s18+$0xFFFFFF60 ss:$0x1], $0xffff  }
0x143: {  	v8 =	vor.u32 v3, v11;
	v7 =	vor.u32 v7, v5;
	v6 =	vld.idx.msk [tilespmem:v4+s18+$0x17E0 ss:$0x1], $0xffff  }
0x144: {  	v5 =	vshrl.u32 v13, $0x1;
	[tilespmem:v14+s10+$0x0] =	vst.idx.add.f32.msk $0xffff, v2  }
0x145: {  	v11 =	vshll.u32 v12, $0x5;
	v5 =	vand.u32 $0x70, v5;
	v12 =	vld.idx.msk [tilespmem:v4+s17+$0xFFFFE710 ss:$0x1], $0xffff  }
0x146: {  	v11 =	vand.u32 $0x1C00, v11;
	v10 =	vshll.u32 v10, $0x2;
	v13 =	vld.idx.msk [tilespmem:v4+s17+$0xFFFFFF90 ss:$0x1], $0xffff  }
0x147: {  	v9 =	vor.u32 v3, v9;
	v10 =	vand.u32 $0x380, v10;
	v14 =	vshll.u32 v15, $0x5;
	v15 =	vld.idx.msk [tilespmem:v4+s17+$0x1810 ss:$0x1], $0xffff  }
0x148: {  	v10 =	vor.u32 v10, v11;
	v11 =	vand.u32 $0x1C00, v14;
	v14 =	vshll.u32 v16, $0x2;
	[tilespmem:v8+s10+$0x0] =	vst.idx.add.f32.msk $0xffff, v2  }
0x149: {  	v5 =	vor.u32 v5, v10;
	v8 =	vand.u32 $0x380, v14;
	v6 =	vshrl.u32 v6, $0x1;
	v10 =	vld.idx.msk [tilespmem:v4+s15+$0xFFFFE740 ss:$0x1], $0xffff  }
0x14a: {  	v5 =	vor.u32 v3, v5;
	v6 =	vand.u32 $0x70, v6;
	v8 =	vor.u32 v8, v11;
	v11 =	vld.idx.msk [tilespmem:v4+s15+$0xFFFFFFC0 ss:$0x1], $0xffff  }
0x14b: {  	v6 =	vor.u32 v6, v8;
	v8 =	vshll.u32 v12, $0x5;
	v12 =	vld.idx.msk [tilespmem:v4+s15+$0x1840 ss:$0x1], $0xffff  }
0x14c: {  	v8 =	vand.u32 $0x1C00, v8;
	v13 =	vshll.u32 v13, $0x2;
	[tilespmem:v9+s10+$0x0] =	vst.idx.add.f32.msk $0xffff, v2  }
0x14d: {  	v6 =	vor.u32 v3, v6;
	v9 =	vand.u32 $0x380, v13;
	v13 =	vshrl.u32 v15, $0x1;
	v14 =	vld.idx.msk [tilespmem:v4+s16+$0xFFFFE770 ss:$0x1], $0xffff  }
0x14e: {  	v13 =	vand.u32 $0x70, v13;
	v8 =	vor.u32 v9, v8;
	v9 =	vld.idx.msk [tilespmem:v4+s16+$0xFFFFFFF0 ss:$0x1], $0xffff  }
0x14f: {  	v8 =	vor.u32 v13, v8;
	v10 =	vshll.u32 v10, $0x5;
	v13 =	vld.idx.msk [tilespmem:v4+s16+$0x1870 ss:$0x1], $0xffff  }
0x150: {  	[tilespmem:v5+s10+$0x0] =	vst.idx.add.f32.msk $0xffff, v2;
	v5 =	vshll.u32 v11, $0x2  }
0x151: {  	v10 =	vand.u32 $0x1C00, v10;
	v12 =	vshrl.u32 v12, $0x1;
	v11 =	vld.idx.msk [tilespmem:v4+s19+$0xFFFFE6C0 ss:$0x1], $0xffff;
	v5 =	vand.u32 $0x380, v5  }
0x152: {  	[tilespmem:v6+s10+$0x0] =	vst.idx.add.f32.msk $0xffff, v2;
	v6 =	vand.u32 $0x70, v12;
	v5 =	vor.u32 v5, v10  }
0x153: {  	v8 =	vor.u32 v3, v8;
	v10 =	vld.idx.msk [tilespmem:v4+s19+$0x17C0 ss:$0x1], $0xffff;
	v5 =	vor.u32 v6, v5  }
0x154: {  	v12 =	vshll.u32 v14, $0x5;
	v9 =	vshll.u32 v9, $0x2;
	v6 =	vld.idx.msk [tilespmem:v4+s19+$0xFFFFFF40 ss:$0x1], $0xffff  }
0x155: {  	v12 =	vand.u32 $0x1C00, v12;
	v9 =	vand.u32 $0x380, v9;
	v13 =	vshrl.u32 v13, $0x1;
	v14 =	vld.idx.msk [tilespmem:v4+s18+$0xFFFFE6F0 ss:$0x1], $0xffff  }
0x156: {  	v13 =	vand.u32 $0x70, v13;
	v9 =	vor.u32 v9, v12;
	v15 =	vld.idx.msk [tilespmem:v4+s18+$0xFFFFFF70 ss:$0x1], $0xffff  }
0x157: {  	v5 =	vor.u32 v3, v5;
	v11 =	vshll.u32 v11, $0x5;
	v9 =	vor.u32 v13, v9;
	v12 =	vld.idx.msk [tilespmem:v4+s18+$0x17F0 ss:$0x1], $0xffff  }
0x158: {  	[tilespmem:v8+s10+$0x0] =	vst.idx.add.f32.msk $0xffff, v2  }
0x159: {  	v8 =	vshrl.u32 v10, $0x1;
	v10 =	vld.idx.msk [tilespmem:v4+s17+$0xFFFFE720 ss:$0x1], $0xffff  }
0x15a: {  	v9 =	vor.u32 v3, v9;
	v6 =	vshll.u32 v6, $0x2;
	v8 =	vand.u32 $0x70, v8;
	v13 =	vld.idx.msk [tilespmem:v4+s17+$0xFFFFFFA0 ss:$0x1], $0xffff  }
0x15b: {  	v11 =	vand.u32 $0x1C00, v11;
	v6 =	vand.u32 $0x380, v6;
	v14 =	vshll.u32 v14, $0x5;
	v16 =	vld.idx.msk [tilespmem:v4+s17+$0x1820 ss:$0x1], $0xffff  }
0x15c: {  	v6 =	vor.u32 v6, v11;
	v11 =	vand.u32 $0x1C00, v14;
	v14 =	vshll.u32 v15, $0x2;
	[tilespmem:v5+s10+$0x0] =	vst.idx.add.f32.msk $0xffff, v2  }
0x15d: {  	v5 =	vor.u32 v8, v6;
	v6 =	vand.u32 $0x380, v14;
	v8 =	vshrl.u32 v12, $0x1;
	v12 =	vld.idx.msk [tilespmem:v4+s15+$0xFFFFE750 ss:$0x1], $0xffff  }
0x15e: {  	v14 =	vor.u32 v3, v5;
	v5 =	vand.u32 $0x70, v8;
	v6 =	vor.u32 v6, v11;
	v8 =	vld.idx.msk [tilespmem:v4+s15+$0xFFFFFFD0 ss:$0x1], $0xffff  }
0x15f: {  	v6 =	vor.u32 v5, v6;
	v5 =	vshll.u32 v10, $0x5;
	v10 =	vld.idx.msk [tilespmem:v4+s15+$0x1850 ss:$0x1], $0xffff  }
0x160: {  	v11 =	vshll.u32 v13, $0x2;
	[tilespmem:v9+s10+$0x0] =	vst.idx.add.f32.msk $0xffff, v2  }
0x161: {  	v9 =	vand.u32 $0x1C00, v5;
	v11 =	vand.u32 $0x380, v11;
	v13 =	vshrl.u32 v16, $0x1;
	v5 =	vld.idx.msk [tilespmem:v4+s16+$0xFFFFE780 ss:$0x1], $0xffff  }
0x162: {  	v6 =	vor.u32 v3, v6;
	v13 =	vand.u32 $0x70, v13;
	v9 =	vor.u32 v11, v9;
	v11 =	vld.idx.msk [tilespmem:v4+s16+$0x0 ss:$0x1], $0xffff  }
0x163: {  	v9 =	vor.u32 v13, v9;
	v12 =	vshll.u32 v12, $0x5;
	[tilespmem:v14+s10+$0x0] =	vst.idx.add.f32.msk $0xffff, v2  }
0x164: {  	v12 =	vand.u32 $0x1C00, v12;
	v8 =	vshll.u32 v8, $0x2;
	v13 =	vld.idx.msk [tilespmem:v4+s19+$0x17D0 ss:$0x1], $0xffff  }
0x165: {  	v9 =	vor.u32 v3, v9;
	v8 =	vand.u32 $0x380, v8;
	v10 =	vshrl.u32 v10, $0x1;
	v14 =	vld.idx.msk [tilespmem:v4+s19+$0xFFFFFF50 ss:$0x1], $0xffff  }
0x166: {  	v10 =	vand.u32 $0x70, v10;
	v8 =	vor.u32 v8, v12;
	v15 =	vld.idx.msk [tilespmem:v4+s19+$0xFFFFE6D0 ss:$0x1], $0xffff  }
0x167: {  	v8 =	vor.u32 v10, v8;
	[tilespmem:v6+s10+$0x0] =	vst.idx.add.f32.msk $0xffff, v2  }
0x168: {  	v6 =	vshll.u32 v11, $0x2;
	v10 =	vld.idx.msk [tilespmem:v4+s18+$0xFFFFE700 ss:$0x1], $0xffff  }
0x169: {  	v6 =	vand.u32 $0x380, v6;
	v16 =	vld.idx.msk [tilespmem:v4+s18+$0xFFFFFF80 ss:$0x1], $0xffff  }
0x16a: {  	v8 =	vor.u32 v3, v8;
	v11 =	vshrl.u32 v13, $0x1;
	[tilespmem:v9+s10+$0x0] =	vst.idx.add.f32.msk $0xffff, v2  }
0x16b: {  	v9 =	vand.u32 $0x70, v11;
	v13 =	vld.idx.msk [tilespmem:v4+s18+$0x1800 ss:$0x1], $0xffff  }
0x16c: {  	v12 =	vshll.u32 v14, $0x2;
	v11 =	vshll.u32 v15, $0x5;
	v18 =	vld.idx.msk [tilespmem:v4+s17+$0xFFFFE730 ss:$0x1], $0xffff  }
0x16d: {  	v14 =	vand.u32 $0x380, v12;
	v11 =	vand.u32 $0x1C00, v11;
	v12 =	vld.idx.msk [tilespmem:v4+s17+$0xFFFFFFB0 ss:$0x1], $0xffff  }
.Ltmp1:
0x16e: {  	v15 =	vor.u32 v14, v11;
	v14 =	vshll.u32 v10, $0x5;
	v11 =	vld.idx.msk [tilespmem:v4+s17+$0x1830 ss:$0x1], $0xffff;
	(pc) =	sbr.rel @p1 .LBB2_5-.Ltmp1, $4  }
0x16f: {  	v7 =	vor.u32 v3, v7;
	v9 =	vor.u32 v9, v15;
	v10 =	vshll.u32 v16, $0x2;
	[tilespmem:v8+s10+$0x0] =	vst.idx.add.f32.msk $0xffff, v2  }
0x170: {  	v17 =	vor.u32 v3, v9;
	v16 =	vand.u32 $0x380, v10;
	v8 =	vld.idx.msk [tilespmem:v4+s15+$0xFFFFE760 ss:$0x1], $0xffff  }
0x171: {  	v9 =	vshrl.u32 v13, $0x1;
	v10 =	vld.idx.msk [tilespmem:v4+s15+$0xFFFFFFE0 ss:$0x1], $0xffff  }
0x172: {  	v15 =	vand.u32 $0x70, v9;
	v13 =	vshll.u32 v18, $0x5;
	v9 =	vld.idx.msk [tilespmem:v4+s15+$0x1860 ss:$0x1], $0xffff  }
0x173: {  	_ =	sdelay $0x3  }
0x174: {  	[tilespmem:v17+s10+$0x0] =	vst.idx.add.f32.msk $0xffff, v2  }
0x175: {  	v17 =	vld.idx.msk [tilespmem:v4+s19+$0xFFFFE6E0 ss:$0x1], $0xffff  }
0x176: {  	v18 =	vld.idx.msk [tilespmem:v4+s19+$0xFFFFFF60 ss:$0x1], $0xffff  }
0x177: {  	v19 =	vld.idx.msk [tilespmem:v4+s19+$0x17E0 ss:$0x1], $0xffff;
	_ =	sdelay $0x3  }
0x178: {  	v17 =	vshll.u32 v17, $0x5;
	v18 =	vshll.u32 v18, $0x2  }
0x179: {  	v19 =	vshrl.u32 v19, $0x1;
	v17 =	vand.u32 $0x1C00, v17;
	v18 =	vand.u32 $0x380, v18  }
0x17a: {  	v19 =	vand.u32 $0x70, v19;
	v17 =	vor.u32 v18, v17  }
0x17b: {  	v17 =	vor.u32 v19, v17  }
0x17c: {  	v17 =	vor.u32 v3, v17;
	_ =	sdelay $0x4  }
0x17d: {  	[tilespmem:v17+s10+$0x0] =	vst.idx.add.f32.msk $0xffff, v2  }
0x17e: {  	v17 =	vld.idx.msk [tilespmem:v4+s19+$0xFFFFE6F0 ss:$0x1], $0xffff  }
0x17f: {  	v44 =	vld.idx.msk [tilespmem:v4+s19+$0xFFFFFF70 ss:$0x1], $0xffff  }
0x180: {  	v45 =	vld.idx.msk [tilespmem:v4+s19+$0x17F0 ss:$0x1], $0xffff;
	_ =	sdelay $0x3  }
0x181: {  	v17 =	vshll.u32 v17, $0x5;
	v18 =	vshll.u32 v44, $0x2  }
0x182: {  	v19 =	vshrl.u32 v45, $0x1;
	v17 =	vand.u32 $0x1C00, v17;
	v18 =	vand.u32 $0x380, v18  }
0x183: {  	v19 =	vand.u32 $0x70, v19;
	v17 =	vor.u32 v18, v17  }
0x184: {  	v17 =	vor.u32 v19, v17  }
0x185: {  	v17 =	vor.u32 v3, v17;
	_ =	sdelay $0x4  }
0x186: {  	[tilespmem:v17+s10+$0x0] =	vst.idx.add.f32.msk $0xffff, v2  }
0x187: {  	v17 =	vld.idx.msk [tilespmem:v4+s19+$0xFFFFE700 ss:$0x1], $0xffff  }
0x188: {  	v46 =	vld.idx.msk [tilespmem:v4+s19+$0xFFFFFF80 ss:$0x1], $0xffff  }
0x189: {  	v47 =	vld.idx.msk [tilespmem:v4+s19+$0x1800 ss:$0x1], $0xffff  }
0x18a: {  	v14 =	vand.u32 $0x1C00, v14  }
0x18b: {  	v14 =	vor.u32 v16, v14  }
0x18c: {  	v14 =	vor.u32 v15, v14  }
0x18d: {  	v14 =	vor.u32 v3, v14;
	v48 =	vshll.u32 v17, $0x5;
	v49 =	vshll.u32 v46, $0x2  }
0x18e: {  	v50 =	vshrl.u32 v47, $0x1;
	v16 =	vand.u32 $0x380, v49;
	v15 =	vand.u32 $0x1C00, v48  }
0x18f: {  	v17 =	vand.u32 $0x70, v50;
	v15 =	vor.u32 v16, v15  }
0x190: {  	v15 =	vor.u32 v17, v15  }
0x191: {  	v15 =	vor.u32 v3, v15  }
0x192: {  	[tilespmem:v14+s10+$0x0] =	vst.idx.add.f32.msk $0xffff, v2  }
0x193: {  	v14 =	vld.idx.msk [tilespmem:v4+s18+$0xFFFFE710 ss:$0x1], $0xffff  }
0x194: {  	v51 =	vld.idx.msk [tilespmem:v4+s18+$0xFFFFFF90 ss:$0x1], $0xffff  }
0x195: {  	v52 =	vld.idx.msk [tilespmem:v4+s18+$0x1810 ss:$0x1], $0xffff  }
0x196: {  	[tilespmem:v15+s10+$0x0] =	vst.idx.add.f32.msk $0xffff, v2  }
0x197: {  	v15 =	vld.idx.msk [tilespmem:v4+s19+$0xFFFFE710 ss:$0x1], $0xffff  }
0x198: {  	v53 =	vld.idx.msk [tilespmem:v4+s19+$0xFFFFFF90 ss:$0x1], $0xffff  }
0x199: {  	v14 =	vshll.u32 v14, $0x5;
	v16 =	vshll.u32 v51, $0x2;
	v54 =	vld.idx.msk [tilespmem:v4+s19+$0x1810 ss:$0x1], $0xffff  }
0x19a: {  	v14 =	vand.u32 $0x1C00, v14;
	v16 =	vand.u32 $0x380, v16;
	v17 =	vshrl.u32 v52, $0x1  }
0x19b: {  	v17 =	vand.u32 $0x70, v17;
	v14 =	vor.u32 v16, v14  }
0x19c: {  	v14 =	vor.u32 v17, v14  }
0x19d: {  	v14 =	vor.u32 v3, v14;
	v15 =	vshll.u32 v15, $0x5;
	v55 =	vshll.u32 v53, $0x2  }
0x19e: {  	v56 =	vshrl.u32 v54, $0x1;
	v15 =	vand.u32 $0x1C00, v15;
	v16 =	vand.u32 $0x380, v55  }
0x19f: {  	v17 =	vand.u32 $0x70, v56;
	v15 =	vor.u32 v16, v15  }
0x1a0: {  	v15 =	vor.u32 v17, v15  }
0x1a1: {  	v15 =	vor.u32 v3, v15  }
0x1a2: {  	[tilespmem:v14+s10+$0x0] =	vst.idx.add.f32.msk $0xffff, v2  }
0x1a3: {  	v14 =	vld.idx.msk [tilespmem:v4+s18+$0xFFFFE720 ss:$0x1], $0xffff  }
0x1a4: {  	v57 =	vld.idx.msk [tilespmem:v4+s18+$0xFFFFFFA0 ss:$0x1], $0xffff  }
0x1a5: {  	v58 =	vld.idx.msk [tilespmem:v4+s18+$0x1820 ss:$0x1], $0xffff  }
0x1a6: {  	[tilespmem:v15+s10+$0x0] =	vst.idx.add.f32.msk $0xffff, v2  }
0x1a7: {  	v15 =	vld.idx.msk [tilespmem:v4+s19+$0xFFFFE720 ss:$0x1], $0xffff  }
0x1a8: {  	v59 =	vld.idx.msk [tilespmem:v4+s19+$0xFFFFFFA0 ss:$0x1], $0xffff  }
0x1a9: {  	v14 =	vshll.u32 v14, $0x5;
	v16 =	vshll.u32 v57, $0x2;
	v60 =	vld.idx.msk [tilespmem:v4+s19+$0x1820 ss:$0x1], $0xffff  }
0x1aa: {  	v14 =	vand.u32 $0x1C00, v14;
	v16 =	vand.u32 $0x380, v16;
	v17 =	vshrl.u32 v58, $0x1  }
0x1ab: {  	v14 =	vor.u32 v16, v14;
	v61 =	vand.u32 $0x70, v17  }
0x1ac: {  	v14 =	vor.u32 v61, v14  }
0x1ad: {  	v14 =	vor.u32 v3, v14;
	v15 =	vshll.u32 v15, $0x5;
	v62 =	vshll.u32 v59, $0x2  }
0x1ae: {  	v63 =	vshrl.u32 v60, $0x1;
	v15 =	vand.u32 $0x1C00, v15;
	v16 =	vand.u32 $0x380, v62  }
0x1af: {  	v17 =	vand.u32 $0x70, v63;
	v15 =	vor.u32 v16, v15  }
0x1b0: {  	v15 =	vor.u32 v17, v15  }
0x1b1: {  	v15 =	vor.u32 v3, v15  }
0x1b2: {  	[tilespmem:v14+s10+$0x0] =	vst.idx.add.f32.msk $0xffff, v2  }
0x1b3: {  	v14 =	vld.idx.msk [tilespmem:v4+s18+$0xFFFFE730 ss:$0x1], $0xffff  }
0x1b4: {  	v20 =	vld.idx.msk [tilespmem:v4+s18+$0xFFFFFFB0 ss:$0x1], $0xffff  }
0x1b5: {  	v12 =	vshll.u32 v12, $0x2;
	v21 =	vld.idx.msk [tilespmem:v4+s18+$0x1830 ss:$0x1], $0xffff  }
0x1b6: {  	v13 =	vand.u32 $0x1C00, v13;
	v11 =	vshrl.u32 v11, $0x1;
	v12 =	vand.u32 $0x380, v12;
	[tilespmem:v15+s10+$0x0] =	vst.idx.add.f32.msk $0xffff, v2  }
0x1b7: {  	v11 =	vand.u32 $0x70, v11;
	v12 =	vor.u32 v12, v13;
	v22 =	vld.idx.msk [tilespmem:v4+s19+$0xFFFFE730 ss:$0x1], $0xffff  }
0x1b8: {  	v11 =	vor.u32 v11, v12;
	v23 =	vld.idx.msk [tilespmem:v4+s19+$0xFFFFFFB0 ss:$0x1], $0xffff  }
0x1b9: {  	v11 =	vor.u32 v3, v11;
	v14 =	vshll.u32 v14, $0x5;
	v24 =	vshll.u32 v20, $0x2;
	v25 =	vld.idx.msk [tilespmem:v4+s19+$0x1830 ss:$0x1], $0xffff  }
0x1ba: {  	v14 =	vand.u32 $0x1C00, v14;
	v17 =	vshrl.u32 v21, $0x1;
	v15 =	vand.u32 $0x380, v24  }
0x1bb: {  	v17 =	vand.u32 $0x70, v17;
	v14 =	vor.u32 v15, v14  }
0x1bc: {  	v14 =	vor.u32 v17, v14  }
0x1bd: {  	v14 =	vor.u32 v3, v14;
	v13 =	vshll.u32 v22, $0x5;
	v12 =	vshll.u32 v23, $0x2  }
0x1be: {  	[tilespmem:v11+s10+$0x0] =	vst.idx.add.f32.msk $0xffff, v2;
	v27 =	vshrl.u32 v25, $0x1;
	v26 =	vand.u32 $0x1C00, v13;
	v12 =	vand.u32 $0x380, v12  }
0x1bf: {  	v28 =	vld.idx.msk [tilespmem:v4+s17+$0xFFFFE740 ss:$0x1], $0xffff;
	v13 =	vand.u32 $0x70, v27;
	v11 =	vor.u32 v12, v26  }
0x1c0: {  	v29 =	vld.idx.msk [tilespmem:v4+s17+$0xFFFFFFC0 ss:$0x1], $0xffff;
	v11 =	vor.u32 v13, v11  }
0x1c1: {  	v30 =	vld.idx.msk [tilespmem:v4+s17+$0x1840 ss:$0x1], $0xffff;
	v11 =	vor.u32 v3, v11  }
0x1c2: {  	[tilespmem:v14+s10+$0x0] =	vst.idx.add.f32.msk $0xffff, v2  }
0x1c3: {  	v14 =	vld.idx.msk [tilespmem:v4+s18+$0xFFFFE740 ss:$0x1], $0xffff  }
0x1c4: {  	v31 =	vld.idx.msk [tilespmem:v4+s18+$0xFFFFFFC0 ss:$0x1], $0xffff  }
0x1c5: {  	v15 =	vshll.u32 v28, $0x5;
	v12 =	vshll.u32 v29, $0x2;
	v32 =	vld.idx.msk [tilespmem:v4+s18+$0x1840 ss:$0x1], $0xffff  }
0x1c6: {  	v15 =	vand.u32 $0x1C00, v15;
	v12 =	vand.u32 $0x380, v12;
	v13 =	vshrl.u32 v30, $0x1;
	[tilespmem:v11+s10+$0x0] =	vst.idx.add.f32.msk $0xffff, v2  }
0x1c7: {  	v33 =	vand.u32 $0x70, v13;
	v12 =	vor.u32 v12, v15;
	v34 =	vld.idx.msk [tilespmem:v4+s19+$0xFFFFE740 ss:$0x1], $0xffff  }
0x1c8: {  	v11 =	vor.u32 v33, v12;
	v35 =	vld.idx.msk [tilespmem:v4+s19+$0xFFFFFFC0 ss:$0x1], $0xffff  }
0x1c9: {  	v14 =	vshll.u32 v14, $0x5;
	v36 =	vshll.u32 v31, $0x2;
	v11 =	vor.u32 v3, v11;
	v37 =	vld.idx.msk [tilespmem:v4+s19+$0x1840 ss:$0x1], $0xffff  }
0x1ca: {  	v17 =	vshrl.u32 v32, $0x1;
	v14 =	vand.u32 $0x1C00, v14;
	v15 =	vand.u32 $0x380, v36  }
0x1cb: {  	v17 =	vand.u32 $0x70, v17;
	v14 =	vor.u32 v15, v14  }
0x1cc: {  	v14 =	vor.u32 v17, v14  }
0x1cd: {  	v14 =	vor.u32 v3, v14;
	v13 =	vshll.u32 v34, $0x5;
	v12 =	vshll.u32 v35, $0x2  }
0x1ce: {  	[tilespmem:v11+s10+$0x0] =	vst.idx.add.f32.msk $0xffff, v2;
	v39 =	vshrl.u32 v37, $0x1;
	v38 =	vand.u32 $0x1C00, v13;
	v12 =	vand.u32 $0x380, v12  }
0x1cf: {  	v40 =	vld.idx.msk [tilespmem:v4+s17+$0xFFFFE750 ss:$0x1], $0xffff;
	v13 =	vand.u32 $0x70, v39;
	v11 =	vor.u32 v12, v38  }
0x1d0: {  	v41 =	vld.idx.msk [tilespmem:v4+s17+$0xFFFFFFD0 ss:$0x1], $0xffff;
	v11 =	vor.u32 v13, v11  }
0x1d1: {  	v42 =	vld.idx.msk [tilespmem:v4+s17+$0x1850 ss:$0x1], $0xffff;
	v11 =	vor.u32 v3, v11  }
0x1d2: {  	[tilespmem:v14+s10+$0x0] =	vst.idx.add.f32.msk $0xffff, v2  }
0x1d3: {  	v8 =	vshll.u32 v8, $0x5;
	v10 =	vshll.u32 v10, $0x2;
	v9 =	vshrl.u32 v9, $0x1;
	v14 =	vld.idx.msk [tilespmem:v4+s18+$0xFFFFE750 ss:$0x1], $0xffff  }
0x1d4: {  	v8 =	vand.u32 $0x1C00, v8;
	v10 =	vand.u32 $0x380, v10;
	v9 =	vand.u32 $0x70, v9;
	v43 =	vld.idx.msk [tilespmem:v4+s18+$0xFFFFFFD0 ss:$0x1], $0xffff  }
0x1d5: {  	v8 =	vor.u32 v10, v8;
	v44 =	vld.idx.msk [tilespmem:v4+s18+$0x1850 ss:$0x1], $0xffff;
	v15 =	vshll.u32 v40, $0x5;
	v12 =	vshll.u32 v41, $0x2  }
0x1d6: {  	v13 =	vshrl.u32 v42, $0x1;
	v15 =	vand.u32 $0x1C00, v15;
	v12 =	vand.u32 $0x380, v12;
	[tilespmem:v11+s10+$0x0] =	vst.idx.add.f32.msk $0xffff, v2  }
0x1d7: {  	v8 =	vor.u32 v9, v8;
	v45 =	vand.u32 $0x70, v13;
	v12 =	vor.u32 v12, v15;
	v46 =	vld.idx.msk [tilespmem:v4+s19+$0xFFFFE750 ss:$0x1], $0xffff  }
0x1d8: {  	v8 =	vor.u32 v3, v8;
	v11 =	vor.u32 v45, v12;
	v47 =	vld.idx.msk [tilespmem:v4+s19+$0xFFFFFFD0 ss:$0x1], $0xffff  }
0x1d9: {  	v14 =	vshll.u32 v14, $0x5;
	v48 =	vshll.u32 v43, $0x2;
	v11 =	vor.u32 v3, v11;
	v49 =	vld.idx.msk [tilespmem:v4+s19+$0x1850 ss:$0x1], $0xffff  }
0x1da: {  	v17 =	vshrl.u32 v44, $0x1;
	v14 =	vand.u32 $0x1C00, v14;
	v15 =	vand.u32 $0x380, v48  }
0x1db: {  	v17 =	vand.u32 $0x70, v17;
	v14 =	vor.u32 v15, v14  }
0x1dc: {  	v14 =	vor.u32 v17, v14  }
0x1dd: {  	[tilespmem:v8+s10+$0x0] =	vst.idx.add.f32.msk $0xffff, v2;
	v14 =	vor.u32 v3, v14;
	v13 =	vshll.u32 v46, $0x5;
	v12 =	vshll.u32 v47, $0x2  }
0x1de: {  	[tilespmem:v11+s10+$0x0] =	vst.idx.add.f32.msk $0xffff, v2;
	v52 =	vshrl.u32 v49, $0x1;
	v51 =	vand.u32 $0x1C00, v13;
	v12 =	vand.u32 $0x380, v12  }
0x1df: {  	v53 =	vld.idx.msk [tilespmem:v4+s17+$0xFFFFE760 ss:$0x1], $0xffff;
	v13 =	vand.u32 $0x70, v52;
	v11 =	vor.u32 v12, v51  }
0x1e0: {  	v54 =	vld.idx.msk [tilespmem:v4+s17+$0xFFFFFFE0 ss:$0x1], $0xffff;
	v11 =	vor.u32 v13, v11  }
0x1e1: {  	v55 =	vld.idx.msk [tilespmem:v4+s17+$0x1860 ss:$0x1], $0xffff;
	v11 =	vor.u32 v3, v11  }
0x1e2: {  	[tilespmem:v14+s10+$0x0] =	vst.idx.add.f32.msk $0xffff, v2  }
0x1e3: {  	v56 =	vld.idx.msk [tilespmem:v4+s18+$0xFFFFE760 ss:$0x1], $0xffff  }
0x1e4: {  	v57 =	vld.idx.msk [tilespmem:v4+s18+$0xFFFFFFE0 ss:$0x1], $0xffff  }
0x1e5: {  	v59 =	vld.idx.msk [tilespmem:v4+s18+$0x1860 ss:$0x1], $0xffff;
	v58 =	vshll.u32 v53, $0x5;
	v12 =	vshll.u32 v54, $0x2  }
0x1e6: {  	v13 =	vshrl.u32 v55, $0x1;
	v14 =	vand.u32 $0x1C00, v58;
	v12 =	vand.u32 $0x380, v12;
	[tilespmem:v11+s10+$0x0] =	vst.idx.add.f32.msk $0xffff, v2  }
0x1e7: {  	v60 =	vand.u32 $0x70, v13;
	v12 =	vor.u32 v12, v14;
	v61 =	vld.idx.msk [tilespmem:v4+s19+$0xFFFFE760 ss:$0x1], $0xffff  }
0x1e8: {  	v11 =	vor.u32 v60, v12;
	v62 =	vld.idx.msk [tilespmem:v4+s19+$0xFFFFFFE0 ss:$0x1], $0xffff  }
0x1e9: {  	v10 =	vshll.u32 v56, $0x5;
	v9 =	vshll.u32 v57, $0x2;
	v11 =	vor.u32 v3, v11;
	v63 =	vld.idx.msk [tilespmem:v4+s19+$0x1860 ss:$0x1], $0xffff  }
0x1ea: {  	v50 =	vld.idx.msk [tilespmem:v4+s16+$0x1880 ss:$0x1], $0xffff;
	v21 =	vshrl.u32 v59, $0x1;
	v20 =	vand.u32 $0x1C00, v10;
	v9 =	vand.u32 $0x380, v9  }
0x1eb: {  	v22 =	vld.idx.msk [tilespmem:v4+s15+$0xFFFFE770 ss:$0x1], $0xffff;
	v10 =	vand.u32 $0x70, v21;
	v8 =	vor.u32 v9, v20  }
0x1ec: {  	v23 =	vld.idx.msk [tilespmem:v4+s15+$0xFFFFFFF0 ss:$0x1], $0xffff;
	v8 =	vor.u32 v10, v8  }
0x1ed: {  	v24 =	vld.idx.msk [tilespmem:v4+s15+$0x1870 ss:$0x1], $0xffff;
	v8 =	vor.u32 v3, v8;
	v13 =	vshll.u32 v61, $0x5;
	v12 =	vshll.u32 v62, $0x2  }
0x1ee: {  	[tilespmem:v11+s10+$0x0] =	vst.idx.add.f32.msk $0xffff, v2;
	v26 =	vshrl.u32 v63, $0x1;
	v25 =	vand.u32 $0x1C00, v13;
	v12 =	vand.u32 $0x380, v12  }
0x1ef: {  	v27 =	vld.idx.msk [tilespmem:v4+s17+$0xFFFFE770 ss:$0x1], $0xffff;
	v13 =	vand.u32 $0x70, v26;
	v11 =	vor.u32 v12, v25  }
0x1f0: {  	v28 =	vld.idx.msk [tilespmem:v4+s17+$0xFFFFFFF0 ss:$0x1], $0xffff;
	v11 =	vor.u32 v13, v11  }
0x1f1: {  	v29 =	vshll.u32 v22, $0x5;
	v9 =	vshll.u32 v23, $0x2;
	v30 =	vld.idx.msk [tilespmem:v4+s17+$0x1870 ss:$0x1], $0xffff;
	v11 =	vor.u32 v3, v11  }
0x1f2: {  	v9 =	vand.u32 $0x380, v9;
	v10 =	vshrl.u32 v24, $0x1;
	[tilespmem:v8+s10+$0x0] =	vst.idx.add.f32.msk $0xffff, v2;
	v13 =	vand.u32 $0x1C00, v29  }
0x1f3: {  	v31 =	vand.u32 $0x70, v10;
	v32 =	vld.idx.msk [tilespmem:v4+s18+$0xFFFFE770 ss:$0x1], $0xffff;
	v9 =	vor.u32 v9, v13  }
0x1f4: {  	v33 =	vld.idx.msk [tilespmem:v4+s18+$0xFFFFFFF0 ss:$0x1], $0xffff;
	v8 =	vor.u32 v31, v9  }
0x1f5: {  	v35 =	vld.idx.msk [tilespmem:v4+s18+$0x1870 ss:$0x1], $0xffff;
	v8 =	vor.u32 v3, v8;
	v34 =	vshll.u32 v27, $0x5;
	v12 =	vshll.u32 v28, $0x2  }
0x1f6: {  	v16 =	vshrl.u32 v30, $0x1;
	v13 =	vand.u32 $0x1C00, v34;
	v12 =	vand.u32 $0x380, v12;
	[tilespmem:v11+s10+$0x0] =	vst.idx.add.f32.msk $0xffff, v2  }
0x1f7: {  	v36 =	vand.u32 $0x70, v16;
	v12 =	vor.u32 v12, v13;
	v37 =	vld.idx.msk [tilespmem:v4+s19+$0xFFFFE770 ss:$0x1], $0xffff  }
0x1f8: {  	v11 =	vor.u32 v36, v12;
	v38 =	vld.idx.msk [tilespmem:v4+s19+$0xFFFFFFF0 ss:$0x1], $0xffff  }
0x1f9: {  	v10 =	vshll.u32 v32, $0x5;
	v9 =	vshll.u32 v33, $0x2;
	v11 =	vor.u32 v3, v11;
	v39 =	vld.idx.msk [tilespmem:v4+s19+$0x1870 ss:$0x1], $0xffff  }
0x1fa: {  	v41 =	vshrl.u32 v35, $0x1;
	v40 =	vand.u32 $0x1C00, v10;
	v9 =	vand.u32 $0x380, v9;
	[tilespmem:v8+s10+$0x0] =	vst.idx.add.f32.msk $0xffff, v2  }
0x1fb: {  	v10 =	vand.u32 $0x70, v41;
	v8 =	vor.u32 v9, v40;
	v42 =	vld.idx.msk [tilespmem:v4+s15+$0xFFFFE780 ss:$0x1], $0xffff  }
0x1fc: {  	v43 =	vld.idx.msk [tilespmem:v4+s15+$0x0 ss:$0x1], $0xffff;
	v8 =	vor.u32 v10, v8  }
0x1fd: {  	v44 =	vld.idx.msk [tilespmem:v4+s15+$0x1880 ss:$0x1], $0xffff;
	v8 =	vor.u32 v3, v8;
	v13 =	vshll.u32 v37, $0x5;
	v12 =	vshll.u32 v38, $0x2  }
0x1fe: {  	[tilespmem:v11+s10+$0x0] =	vst.idx.add.f32.msk $0xffff, v2;
	v46 =	vshrl.u32 v39, $0x1;
	v45 =	vand.u32 $0x1C00, v13;
	v12 =	vand.u32 $0x380, v12  }
0x1ff: {  	v47 =	vld.idx.msk [tilespmem:v4+s17+$0xFFFFE780 ss:$0x1], $0xffff;
	v13 =	vand.u32 $0x70, v46;
	v11 =	vor.u32 v12, v45  }
0x200: {  	v48 =	vld.idx.msk [tilespmem:v4+s17+$0x0 ss:$0x1], $0xffff;
	v11 =	vor.u32 v13, v11  }
0x201: {  	v5 =	vshll.u32 v5, $0x5;
	v49 =	vld.idx.msk [tilespmem:v4+s17+$0x1880 ss:$0x1], $0xffff;
	v11 =	vor.u32 v3, v11  }
0x202: {  	v5 =	vand.u32 $0x1C00, v5;
	[tilespmem:v8+s10+$0x0] =	vst.idx.add.f32.msk $0xffff, v2  }
0x203: {  	v5 =	vor.u32 v6, v5;
	v15 =	vshrl.u32 v50, $0x1;
	v51 =	vld.idx.msk [tilespmem:v4+s18+$0xFFFFE780 ss:$0x1], $0xffff  }
0x204: {  	v50 =	vand.u32 $0x70, v15;
	v52 =	vshll.u32 v43, $0x2;
	v14 =	vshll.u32 v42, $0x5;
	v53 =	vld.idx.msk [tilespmem:v4+s18+$0x0 ss:$0x1], $0xffff  }
0x205: {  	v10 =	vshrl.u32 v44, $0x1;
	v8 =	vand.u32 $0x380, v52;
	v14 =	vand.u32 $0x1C00, v14;
	v54 =	vld.idx.msk [tilespmem:v4+s18+$0x1880 ss:$0x1], $0xffff  }
0x206: {  	v5 =	vor.u32 v50, v5;
	v10 =	vand.u32 $0x70, v10;
	v8 =	vor.u32 v8, v14;
	[tilespmem:v11+s10+$0x0] =	vst.idx.add.f32.msk $0xffff, v2  }
0x207: {  	v5 =	vor.u32 v3, v5;
	v8 =	vor.u32 v10, v8;
	v55 =	vshll.u32 v48, $0x2;
	v57 =	vld.idx.msk [tilespmem:v4+s19+$0xFFFFE780 ss:$0x1], $0xffff  }
0x208: {  	v56 =	vshll.u32 v47, $0x5;
	v13 =	vshrl.u32 v49, $0x1;
	v8 =	vor.u32 v3, v8;
	v58 =	vld.idx.msk [tilespmem:v4+s19+$0x0 ss:$0x1], $0xffff  }
0x209: {  	v12 =	vand.u32 $0x1C00, v56;
	v59 =	vand.u32 $0x70, v13;
	v11 =	vand.u32 $0x380, v55;
	v60 =	vld.idx.msk [tilespmem:v4+s19+$0x1880 ss:$0x1], $0xffff  }
0x20a: {  	v9 =	vshll.u32 v53, $0x2;
	v6 =	vshll.u32 v51, $0x5;
	v61 =	vshrl.u32 v54, $0x1  }
0x20b: {  	v11 =	vor.u32 v11, v12;
	v9 =	vand.u32 $0x380, v9;
	v6 =	vand.u32 $0x1C00, v6  }
0x20c: {  	v10 =	vor.u32 v59, v11;
	v11 =	vand.u32 $0x70, v61;
	v6 =	vor.u32 v9, v6  }
0x20d: {  	v10 =	vor.u32 v3, v10;
	v62 =	vshll.u32 v58, $0x2;
	v63 =	vshll.u32 v57, $0x5  }
0x20e: {  	v4 =	vshrl.u32 v60, $0x1;
	v9 =	vand.u32 $0x380, v62;
	v12 =	vand.u32 $0x1C00, v63  }
0x20f: {  	v6 =	vor.u32 v11, v6;
	v4 =	vand.u32 $0x70, v4;
	v9 =	vor.u32 v9, v12  }
0x210: {  	s14 =	sadd.s32 $0x1, s14;
	v6 =	vor.u32 v3, v6;
	v4 =	vor.u32 v4, v9  }
0x211: {  	[tilespmem:v7+s10+$0x0] =	vst.idx.add.f32.msk $0xffff, v2;
	p1 =	sne.s32 s14, $0x20;
	v3 =	vor.u32 v3, v4  }
.Ltmp2:
0x212: {  	[tilespmem:v5+s10+$0x0] =	vst.idx.add.f32.msk $0xffff, v2;
	(pc) =	sbr.rel @p1 .LBB2_4-.Ltmp2, $4  }
0x213: {  	[tilespmem:v8+s10+$0x0] =	vst.idx.add.f32.msk $0xffff, v2  }
0x214: {  	[tilespmem:v10+s10+$0x0] =	vst.idx.add.f32.msk $0xffff, v2  }
0x215: {  	[tilespmem:v6+s10+$0x0] =	vst.idx.add.f32.msk $0xffff, v2  }
0x216: {  	p0 =	por !p0, !p0;
	[tilespmem:v3+s10+$0x0] =	vst.idx.add.f32.msk $0xffff, v2  }
0x217: {  	s14 =	simm.s32 $0x0;
	s15 =	simm.s32 $0x9380  }
.LBB2_8:
0x218: {  	v3 =	vld [tilespmem:s15+$0xFFFFFF80]  }
0x219: {  	v4 =	vld [tilespmem:s15+$0xFFFFFF90]  }
0x21a: {  	v5 =	vld [tilespmem:s15+$0xFFFFFFA0]  }
0x21b: {  	v6 =	vld [tilespmem:s15+$0xFFFFFFB0]  }
0x21c: {  	v7 =	vld [tilespmem:s15+$0xFFFFFFC0]  }
0x21d: {  	(xrf2) =	vadd.scan.msk.f32 $0xffff, v3;
	v3 =	vld [tilespmem:s15+$0xFFFFFFD0]  }
0x21e: {  	v29 =	vld [tilespmem:s15+$0xFFFFFFE0];
	(xrf2) =	vadd.scan.msk.f32 $0xffff, v4  }
0x21f: {  	v30 =	vld [tilespmem:s15+$0xFFFFFFF0];
	(xrf2) =	vadd.scan.msk.f32 $0xffff, v5  }
0x220: {  	v31 =	vld [tilespmem:s15+$0x0];
	(xrf2) =	vadd.scan.msk.f32 $0xffff, v6  }
0x221: {  	v32 =	vld [tilespmem:s15+$0x10];
	(xrf2) =	vadd.scan.msk.f32 $0xffff, v7  }
0x222: {  	(xrf2) =	vadd.scan.msk.f32 $0xffff, v3;
	v3 =	vld [tilespmem:s15+$0x20]  }
0x223: {  	v33 =	vld [tilespmem:s15+$0x30];
	(xrf2) =	vadd.scan.msk.f32 $0xffff, v29  }
0x224: {  	v34 =	vld [tilespmem:s15+$0x40];
	(xrf2) =	vadd.scan.msk.f32 $0xffff, v30  }
0x225: {  	v35 =	vld [tilespmem:s15+$0x50];
	(xrf2) =	vadd.scan.msk.f32 $0xffff, v31  }
0x226: {  	v36 =	vld [tilespmem:s15+$0x60];
	(xrf2) =	vadd.scan.msk.f32 $0xffff, v32  }
0x227: {  	v8, _, _ =	vpop (xrf2);
	(xrf2) =	vadd.scan.msk.f32 $0xffff, v3  }
0x228: {  	v3, _, _ =	vpop (xrf2);
	(xrf2) =	vadd.scan.msk.f32 $0xffff, v33  }
0x229: {  	v39 =	vld [tilespmem:s15+$0x70];
	v37 =	vbroadcast v8, $0xF;
	v3 =	vbroadcast v3, $0xF;
	v38, _, _ =	vpop (xrf2);
	(xrf2) =	vadd.scan.msk.f32 $0xffff, v34  }
0x22a: {  	v9, _, _ =	vpop (xrf2);
	(xrf2) =	vadd.scan.msk.f32 $0xffff, v35;
	v40 =	vbroadcast v38, $0xF  }
0x22b: {  	v3 =	vsel vm0, v37, v3;
	v41 =	vbroadcast v9, $0xF;
	v42, _, _ =	vpop (xrf2);
	(xrf2) =	vadd.scan.msk.f32 $0xffff, v36  }
0x22c: {  	v43, _, _ =	vpop (xrf2);
	v3 =	vsel vm1, v3, v40;
	v44 =	vbroadcast v42, $0xF  }
0x22d: {  	v45, _, _ =	vpop (xrf2);
	v3 =	vsel vm2, v3, v41;
	v46 =	vbroadcast v43, $0xF  }
0x22e: {  	(xrf2) =	vadd.scan.msk.f32 $0xffff, v39;
	v3 =	vsel vm3, v3, v44;
	v47 =	vbroadcast v45, $0xF;
	v48, _, _ =	vpop (xrf2)  }
0x22f: {  	v49, _, _ =	vpop (xrf2);
	v3 =	vsel vm4, v3, v46;
	v50 =	vbroadcast v48, $0xF  }
0x230: {  	v51, _, _ =	vpop (xrf2);
	v3 =	vsel vm5, v3, v47;
	v5 =	vbroadcast v49, $0xF  }
0x231: {  	v52, _, _ =	vpop (xrf2);
	v3 =	vsel vm6, v3, v50;
	v53 =	vbroadcast v51, $0xF  }
0x232: {  	v54, _, _ =	vpop (xrf2);
	v3 =	vsel vm7, v3, v5;
	v55 =	vbroadcast v52, $0xF  }
0x233: {  	v56, _, _ =	vpop (xrf2);
	v3 =	vsel vm8, v3, v53;
	v57 =	vbroadcast v54, $0xF  }
0x234: {  	v58, _, _ =	vpop (xrf2);
	v3 =	vsel vm9, v3, v55;
	v59 =	vbroadcast v56, $0xF  }
0x235: {  	p0 =	sne.s32 s14, $0x1FC0;
	v60, _, _ =	vpop (xrf2);
	v3 =	vsel vm10, v3, v57;
	v61 =	vbroadcast v58, $0xF  }
.Ltmp3:
0x236: {  	v3 =	vsel vm11, v3, v59;
	v62 =	vbroadcast v60, $0xF;
	(pc) =	sbr.rel @p0 .LBB2_8-.Ltmp3, $4  }
0x237: {  	v3 =	vsel vm12, v3, v61  }
0x238: {  	v63, _, _ =	vpop (xrf2);
	v3 =	vsel vm13, v3, v62  }
0x239: {  	s16 =	sshra.s32 s14, $0x2;
	v3 =	vsel vm14, v3, v63  }
0x23a: {  	s14 =	sadd.s32 $0x40, s14;
	s15 =	sadd.s32 $0x100, s15;
	[tilespmem:s16+$0x11300] =	vst v3  }
0x23b: {  	s13 =	sadd.s32 $0x1, s13  }
0x23c: {  	p0 =	sne.s32 s13, s7  }
.Ltmp4:
0x23d: {  	_ = 	snop;
	(pc) =	sbr.rel @p0 .LBB2_1-.Ltmp4, $4  }
0x23e: {  	[hbm4b:s6+s2] =	stream.linear.scatter [tilespmem:s11], [sflag:$0x3], $0x800, $0x38;
	[tilespmem:$0x11B00] =	vst v63  }
0x23f: {  	_ =	swait.ge [sflag:s12], $0x800  }
0x240: {  	[sflag:s12] =	ssyncset.done $0x0  }
0x241: {  	[sflag:s12] =	ssyncadd.s32 $0xFFFFF800  }
0x242: {  	_ =	sfence.sel $0x180000  }
0x243: {  	[bflag:$0x0] =	sbarrier.arrive $0xFFFF  }
0x244: {  	p0 =	sne.s32 s1, $0x0;
	_ =	strace $0x90000047  }
0x245: {  	s0 =	sadd.s32 @!p0 $0x100000, s0;
	[bflag:$0x2] =	sbarrier.arrive $0xFFFF  }
0x246: {  	[sflag:s0] =	ssyncadd.tile.s32 @!p0 $0x1;
	_ =	shalt  }
.Lfunc_end2:
_tile_overlayer_lowered:
.L_overlay_start_2:
0x247: {  	(tag) =	ssettag $0x2  }
0x248: {  	s0 =	rddreg [dreg:$0x0];
	s2 =	stileid.u32  }
0x249: {  	s1 =	rddreg [dreg:$0x1];
	p0 =	sne.s32 s2, $0x0  }
0x24a: {  	s3 =	rddreg [dreg:$0x2];
	[bflag:$0x3] =	sbarrier.arrive $0xFFFF;
	s2 =	simm.s32 @!p0 $0x1C03  }
0x24b: {  	[timem:s3], [sflag:s2] =	dma.local @!p0 [hbm:s0], s1  }
0x24c: {  	s0 =	simm.s32 @!p0 $0x3  }
0x24d: {  	_ =	swait.ge @!p0 [sflag:s0], s1  }
0x24e: {  	s1 =	ssub.s32 @!p0 $0x0, s1;
	[sflag:s0] =	ssyncset.done @!p0 $0x0  }
0x24f: {  	[sflag:s0] =	ssyncadd.s32 @!p0 s1  }
0x250: {  	[bflag:$0x3] =	sbarrier.arrive $0xFFFF  }
0x251: {  	_ =	shalt  }

</sc_bundles>
